<compile_context>
chip_gen: v7x
topology: tpu7x:2x2x1
jax: 0.10.2.dev20260603
libtpu: 0.0.44.dev20260713+nightly
codegen_flags: <defaults>
</compile_context>

<pallas_src>
import functools

import jax
import jax.numpy as jnp
from jax import lax
from jax.experimental import pallas as pl
from jax.experimental.pallas import tpu as pltpu
from jax.experimental.pallas import tpu_sc as plsc

N = 10000
E = 320000
D = 128

NC = 2
NS = 16
NW = NC * NS
F = D // NW
CHUNK = 2000
NCHUNKS = E // CHUNK


def _dense_body(feat, w1, b1, gamma, beta, wg, attn, ei, out, packed, zpk):
    packed[...] = ei[0:1, :] + ei[1:2, :] * 16384
    x = lax.dot_general(feat[...], w1[...], (((1,), (1,)), ((), ())),
                        preferred_element_type=jnp.float32)
    x = jnp.maximum(x + b1[...], 0.0)
    mu = jnp.mean(x, axis=-1, keepdims=True)
    xc = x - mu
    var = jnp.mean(xc * xc, axis=-1, keepdims=True)
    xn = xc * lax.rsqrt(var + 1e-5) * gamma[...] + beta[...]
    zt = lax.dot_general(wg[...], xn, (((1,), (1,)), ((), ())),
                         preferred_element_type=jnp.float32)
    elr = lax.dot_general(attn[...], zt, (((1,), (0,)), ((), ())),
                          preferred_element_type=jnp.float32)
    out[0:D, :] = zt
    out[D:D + 2, :] = elr
    zr = lax.bitcast_convert_type(zt, jnp.int32) + 0x8000
    lo = lax.shift_right_logical(zr[0:D // 2, :], 16)
    hi = lax.bitwise_and(zr[D // 2:D, :], jnp.int32(-65536))
    zpk[...] = lax.bitwise_or(hi, lo)


def _sc_body(pk_hbm, z_hbm, el_hbm, er_hbm, bias_hbm, acc_hbm,
             w_hbm, el_v, er_v, z_v, acc_v, ssum_v, bias_v, pkbuf, wbuf,
             sem0, sem1, wsem0, wsem1):
    c = lax.axis_index("c")
    s = lax.axis_index("s")
    wid = c * NS + s
    row0 = wid * F

    pltpu.sync_copy(el_hbm, el_v)
    pltpu.sync_copy(er_hbm, er_v)
    for j in range(2):
        pltpu.sync_copy(z_hbm.at[pl.ds((wid * 2 + j) * N, N)], z_v.at[j])
    pltpu.sync_copy(bias_hbm, bias_v)

    zero16 = jnp.zeros((16,), jnp.float32)

    @plsc.parallel_loop(0, N // 16, unroll=5)
    def _zero(i):
        sl = pl.ds(i * 16, 16)
        ssum_v[sl] = zero16
        for f in range(F):
            acc_v[f, sl] = zero16

    bufs = [(pkbuf.at[0], sem0), (pkbuf.at[1], sem1)]
    wbufs = [(wbuf.at[0], wsem0), (wbuf.at[1], wsem1)]

    def _start(g, b):
        pb, sem = bufs[b]
        pltpu.make_async_copy(pk_hbm.at[pl.ds(g * CHUNK, CHUNK)], pb, sem).start()

    def _wait(g, b):
        pb, sem = bufs[b]
        pltpu.make_async_copy(pk_hbm.at[pl.ds(g * CHUNK, CHUNK)], pb, sem).wait()

    EPT = E // NS
    N1 = EPT // CHUNK
    base = s * EPT

    def _p1_start(g, b):
        pb, sem = bufs[b]
        pltpu.make_async_copy(
            pk_hbm.at[pl.ds(base + g * CHUNK, CHUNK)], pb, sem).start()

    def _p1_wait(g, b):
        pb, sem = bufs[b]
        pltpu.make_async_copy(
            pk_hbm.at[pl.ds(base + g * CHUNK, CHUNK)], pb, sem).wait()

    def _p1_out_start(g, b):
        wb, wsem = wbufs[b]
        pltpu.make_async_copy(
            wb, w_hbm.at[pl.ds(c * E + base + g * CHUNK, CHUNK)], wsem).start()

    def _p1_out_wait(g, b):
        wb, wsem = wbufs[b]
        pltpu.make_async_copy(
            wb, w_hbm.at[pl.ds(c * E + base + g * CHUNK, CHUNK)], wsem).wait()

    _p1_start(0, 0)
    _p1_start(1, 1)

    def _p1_outer(gg, _):
        for b in range(2):
            g = gg * 2 + b
            pb, _sem = bufs[b]
            wb, _wsem = wbufs[b]
            _p1_wait(g, b)

            @pl.when(g >= 2)
            def _():
                _p1_out_wait(g - 2, b)

            @plsc.parallel_loop(0, CHUNK // 16, unroll=5)
            def _p1_inner(i):
                sl = pl.ds(i * 16, 16)
                p16 = pb[sl]
                d16 = jax.lax.shift_right_logical(p16, 14)
                s16 = jax.lax.bitwise_and(p16, 16383)
                e = (plsc.load_gather(el_v, [s16])
                     + plsc.load_gather(er_v, [d16]))
                e = jnp.maximum(e, 0.2 * e)
                wb[sl] = jnp.exp(e)

            _p1_out_start(g, b)

            @pl.when(g + 2 < N1)
            def _():
                _p1_start(g + 2, b)
        return 0

    lax.fori_loop(0, N1 // 2, _p1_outer, 0)
    _p1_out_wait(N1 - 2, 0)
    _p1_out_wait(N1 - 1, 1)
    plsc.subcore_barrier()

    def _w_start(g, b):
        wb, wsem = wbufs[b]
        pltpu.make_async_copy(
            w_hbm.at[pl.ds(c * E + g * CHUNK, CHUNK)], wb, wsem).start()

    def _w_wait(g, b):
        wb, wsem = wbufs[b]
        pltpu.make_async_copy(
            w_hbm.at[pl.ds(c * E + g * CHUNK, CHUNK)], wb, wsem).wait()

    fconst = [jnp.full((16,), f, jnp.int32) for f in range(F)]
    _start(0, 0)
    _start(1, 1)
    _w_start(0, 0)
    _w_start(1, 1)

    def _outer(gg, _):
        for b in range(2):
            g = gg * 2 + b
            pb, _sem = bufs[b]
            wb, _wsem = wbufs[b]
            _wait(g, b)
            _w_wait(g, b)

            @plsc.parallel_loop(0, CHUNK // 16, unroll=5)
            def _inner(i):
                sl = pl.ds(i * 16, 16)
                p16 = pb[sl]
                w = wb[sl]
                d16 = jax.lax.shift_right_logical(p16, 14)
                s16 = jax.lax.bitwise_and(p16, 16383)
                plsc.addupdate_scatter(ssum_v, [d16], w)
                for j in range(2):
                    pj = plsc.load_gather(z_v, [fconst[j], s16])
                    zlo = plsc.bitcast(lax.shift_left(pj, 16), jnp.float32)
                    zhi = plsc.bitcast(lax.bitwise_and(pj, jnp.int32(-65536)),
                                       jnp.float32)
                    plsc.addupdate_scatter(acc_v, [fconst[2 * j], d16], w * zlo)
                    plsc.addupdate_scatter(acc_v, [fconst[2 * j + 1], d16],
                                           w * zhi)

            @pl.when(g + 2 < NCHUNKS)
            def _():
                _start(g + 2, b)
                _w_start(g + 2, b)
        return 0

    lax.fori_loop(0, NCHUNKS // 2, _outer, 0)

    ones16 = jnp.full((16,), 1, jnp.int32)
    frows = [2 * wid, D // 2 + 2 * wid, 2 * wid + 1, D // 2 + 2 * wid + 1]
    bvals = [plsc.load_gather(bias_v, [ones16 * fr]) for fr in frows]

    @plsc.parallel_loop(0, N // 16, unroll=5)
    def _norm(i):
        sl = pl.ds(i * 16, 16)
        sv = ssum_v[sl]
        inv = jnp.where(sv > 0.0, 1.0 / sv, 0.0)
        for f in range(F):
            acc_v[f, sl] = acc_v[f, sl] * inv + bvals[f]

    for k, fr in enumerate(frows):
        pltpu.sync_copy(acc_v.at[k], acc_hbm.at[pl.ds(fr * N, N)])


@functools.partial(
    pl.kernel,
    out_type=[jax.ShapeDtypeStruct((D * N,), jnp.float32),
              jax.ShapeDtypeStruct((2 * E,), jnp.float32)],
    mesh=plsc.VectorSubcoreMesh(core_axis_name="c", subcore_axis_name="s"),
    compiler_params=pltpu.CompilerParams(use_tc_tiling_on_sc=False, needs_layout_passes=False),
    scratch_types=[
        pltpu.VMEM((N,), jnp.float32),
        pltpu.VMEM((N,), jnp.float32),
        pltpu.VMEM((2, N), jnp.int32),
        pltpu.VMEM((F, N), jnp.float32),
        pltpu.VMEM((N,), jnp.float32),
        pltpu.VMEM((D,), jnp.float32),
        pltpu.VMEM((2, CHUNK), jnp.int32),
        pltpu.VMEM((2, CHUNK), jnp.float32),
        pltpu.SemaphoreType.DMA,
        pltpu.SemaphoreType.DMA,
        pltpu.SemaphoreType.DMA,
        pltpu.SemaphoreType.DMA,
    ],
)
def _sc_edge_kernel(pk_hbm, z_hbm, el_hbm, er_hbm, bias_hbm,
                    acc_hbm, w_hbm, *scratch):
    _sc_body(pk_hbm, z_hbm, el_hbm, er_hbm, bias_hbm, acc_hbm, w_hbm, *scratch)


def kernel(features, edge_index, W1, b1, gamma, beta, Wg, attn_l, attn_r, bias_g):
    attn = jnp.stack([attn_l, attn_r])
    big, packed, zpk = pl.pallas_call(
        _dense_body,
        out_shape=[jax.ShapeDtypeStruct((D + 2, N), jnp.float32),
                   jax.ShapeDtypeStruct((1, E), jnp.int32),
                   jax.ShapeDtypeStruct((D // 2, N), jnp.int32)],
    )(features, W1, b1[None, :], gamma[None, :], beta[None, :], Wg, attn,
      edge_index)
    z_flat = zpk.reshape(-1)
    el = big[D]
    er = big[D + 1]
    acc, _w_unused = _sc_edge_kernel(packed.reshape(E), z_flat, el, er, bias_g)
    return acc.reshape(D, N).T

# --- scband reference (transcript-rebuilt; emitter-appended) ---
"""Pipeline reference for scband-shared-core-deep-gatmodel-60670708023480 (READ-ONLY COPY).

The authoritative reference and input builder live on the scoring server;
editing this copy changes nothing except your own understanding.
"""

import jax, jax.numpy as jnp
import numpy as np

N = 10000
E = 320000
D_IN = 128
D_HID = 128
D_OUT = 128


def setup_inputs(seed: int = 0) -> dict:
    key = jax.random.key(seed)
    ks = jax.random.split(key, 10)
    features = jax.random.normal(ks[0], (N, D_IN), dtype=jnp.float32)
    edge_index = jax.random.randint(ks[1], (2, E), 0, N, dtype=jnp.int32)
    W1 = jax.random.normal(ks[2], (D_HID, D_IN), dtype=jnp.float32) * (1.0 / np.sqrt(D_IN))
    b1 = jnp.zeros((D_HID,), dtype=jnp.float32)
    gamma = jnp.ones((D_HID,), dtype=jnp.float32)
    beta = jnp.zeros((D_HID,), dtype=jnp.float32)
    Wg = jax.random.normal(ks[3], (D_OUT, D_HID), dtype=jnp.float32) * (1.0 / np.sqrt(D_HID))
    attn_l = jax.random.normal(ks[4], (D_OUT,), dtype=jnp.float32) * (1.0 / np.sqrt(D_OUT))
    attn_r = jax.random.normal(ks[5], (D_OUT,), dtype=jnp.float32) * (1.0 / np.sqrt(D_OUT))
    bias_g = jnp.zeros((D_OUT,), dtype=jnp.float32)
    return {"features": features, "edge_index": edge_index, "W1": W1, "b1": b1,
            "gamma": gamma, "beta": beta, "Wg": Wg, "attn_l": attn_l,
            "attn_r": attn_r, "bias_g": bias_g}


def reference(features, edge_index, W1, b1, gamma, beta, Wg, attn_l, attn_r, bias_g):
    # MLPBlock: Linear -> ReLU -> LayerNorm (dropout identity in eval mode)
    x = jnp.maximum(features @ W1.T + b1, 0.0)
    mu = jnp.mean(x, axis=-1, keepdims=True)
    var = jnp.var(x, axis=-1, keepdims=True)
    x = (x - mu) / jnp.sqrt(var + 1e-5) * gamma + beta
    # GATConv (num_heads=1), DGL semantics: message src->dst, edge softmax over dst
    z = x @ Wg.T                       # [N, D_OUT] projected features
    src = edge_index[0]
    dst = edge_index[1]
    el = z @ attn_l                    # [N] left attention term (src)
    er = z @ attn_r                    # [N] right attention term (dst)
    e = el[src] + er[dst]              # [E] gather per edge
    e = jnp.where(e > 0, e, 0.2 * e)   # leaky_relu(negative_slope=0.2)
    m = jax.ops.segment_max(e, dst, num_segments=N)
    m = jnp.where(jnp.isfinite(m), m, 0.0)
    ex = jnp.exp(e - m[dst])
    s = jax.ops.segment_sum(ex, dst, num_segments=N)
    alpha = ex / s[dst]                # edge softmax
    out = jax.ops.segment_sum(alpha[:, None] * z[src], dst, num_segments=N)
    out = out + bias_g                 # GATConv bias; heads dim squeezed (heads=1)
    return out

if __name__ == "__main__":
    import jax
    _d = setup_inputs()
    print(jax.jit(kernel)(*tuple(_d.values())))

</pallas_src>

<mosaic_0001>
#map = affine_map<(d0, d1) -> (0)>
module attributes {stable_mosaic.version = 14 : i64} {
  func.func @_sc_edge_kernel(%arg0: i32, %arg1: i32, %arg2: memref<320000xi32, #tpu.memory_space<hbm>>, %arg3: memref<640000xi32, #tpu.memory_space<hbm>>, %arg4: memref<10000xf32, #tpu.memory_space<hbm>>, %arg5: memref<10000xf32, #tpu.memory_space<hbm>>, %arg6: memref<128xf32, #tpu.memory_space<hbm>>, %arg7: memref<1280000xf32, #tpu.memory_space<hbm>>, %arg8: memref<640000xf32, #tpu.memory_space<hbm>>, %arg9: memref<10000xf32, #tpu.memory_space<vmem>>, %arg10: memref<10000xf32, #tpu.memory_space<vmem>>, %arg11: memref<2x10000xi32, #tpu.memory_space<vmem>>, %arg12: memref<4x10000xf32, #tpu.memory_space<vmem>>, %arg13: memref<10000xf32, #tpu.memory_space<vmem>>, %arg14: memref<128xf32, #tpu.memory_space<vmem>>, %arg15: memref<2x2000xi32, #tpu.memory_space<vmem>>, %arg16: memref<2x2000xf32, #tpu.memory_space<vmem>>, %arg17: memref<!tpu.dma_semaphore, #tpu.memory_space<semaphore_mem>>, %arg18: memref<!tpu.dma_semaphore, #tpu.memory_space<semaphore_mem>>, %arg19: memref<!tpu.dma_semaphore, #tpu.memory_space<semaphore_mem>>, %arg20: memref<!tpu.dma_semaphore, #tpu.memory_space<semaphore_mem>>) attributes {dimension_semantics = [#tpu.dimension_semantics<core_parallel>, #tpu.dimension_semantics<subcore_parallel>], iteration_bounds = array<i64: 2, 16>, scalar_prefetch = 0 : i64, scratch_operands = 12 : i64, tpu.core_type = #tpu.core_type<sc_vector_subcore>, window_params = [{transform_indices = #map}, {transform_indices = #map}, {transform_indices = #map}, {transform_indices = #map}, {transform_indices = #map}, {transform_indices = #map}, {transform_indices = #map}]} {
    %mul3A = arith.constant 16 : i32
    %mul3A_0 = arith.muli %arg0, %mul3A : i32
    %add3A = arith.addi %mul3A_0, %arg1 : i32
    %mul3A_1 = arith.constant 4 : i32
    %mul3A_2 = arith.muli %add3A, %mul3A_1 : i32
    "tpu.region"() ({
      %run_scoped3A_190 = tpu.sem_alloc : memref<!tpu.dma_semaphore, #tpu.memory_space<semaphore_mem>>
      tpu.enqueue_dma source(%arg4 : memref<10000xf32, #tpu.memory_space<hbm>>) target(%arg9 : memref<10000xf32, #tpu.memory_space<vmem>>) target_semaphore(%run_scoped3A_190 : memref<!tpu.dma_semaphore, #tpu.memory_space<semaphore_mem>>)
      tpu.wait_dma2 semaphore(%run_scoped3A_190 : memref<!tpu.dma_semaphore, #tpu.memory_space<semaphore_mem>>) src(%arg4 : memref<10000xf32, #tpu.memory_space<hbm>>) dst(%arg9 : memref<10000xf32, #tpu.memory_space<vmem>>)
      tpu.yield
    }) : () -> ()
    "tpu.region"() ({
      %run_scoped3A_190 = tpu.sem_alloc : memref<!tpu.dma_semaphore, #tpu.memory_space<semaphore_mem>>
      tpu.enqueue_dma source(%arg5 : memref<10000xf32, #tpu.memory_space<hbm>>) target(%arg10 : memref<10000xf32, #tpu.memory_space<vmem>>) target_semaphore(%run_scoped3A_190 : memref<!tpu.dma_semaphore, #tpu.memory_space<semaphore_mem>>)
      tpu.wait_dma2 semaphore(%run_scoped3A_190 : memref<!tpu.dma_semaphore, #tpu.memory_space<semaphore_mem>>) src(%arg5 : memref<10000xf32, #tpu.memory_space<hbm>>) dst(%arg10 : memref<10000xf32, #tpu.memory_space<vmem>>)
      tpu.yield
    }) : () -> ()
    %mul3A_3 = arith.constant 2 : i32
    %mul3A_4 = arith.muli %add3A, %mul3A_3 : i32
    %add3A_5 = arith.constant 0 : i32
    %add3A_6 = arith.addi %mul3A_4, %add3A_5 : i32
    %mul3A_7 = arith.constant 10000 : i32
    %mul3A_8 = arith.muli %add3A_6, %mul3A_7 : i32
    %run_scoped3A = arith.constant 0 : i32
    "tpu.region"() ({
      %run_scoped3A_190 = tpu.sem_alloc : memref<!tpu.dma_semaphore, #tpu.memory_space<semaphore_mem>>
      %dma_start3A_191 = arith.constant 0 : i32
      %dma_start3A_192 = tpu.memref_slice %arg11[%run_scoped3A, %dma_start3A_191] : memref<2x10000xi32, #tpu.memory_space<vmem>> -> memref<1x10000xi32, #tpu.memory_space<vmem>>
      %dma_start3A_193 = tpu.memref_squeeze %dma_start3A_192 : memref<1x10000xi32, #tpu.memory_space<vmem>> -> memref<10000xi32, #tpu.memory_space<vmem>>
      %dma_start3A_194 = tpu.memref_slice %arg3[%mul3A_8] : memref<640000xi32, #tpu.memory_space<hbm>> -> memref<10000xi32, #tpu.memory_space<hbm>>
      %dma_start3A_195 = arith.constant 0 : i32
      %dma_start3A_196 = tpu.memref_slice %arg11[%run_scoped3A, %dma_start3A_195] : memref<2x10000xi32, #tpu.memory_space<vmem>> -> memref<1x10000xi32, #tpu.memory_space<vmem>>
      %dma_start3A_197 = tpu.memref_squeeze %dma_start3A_196 : memref<1x10000xi32, #tpu.memory_space<vmem>> -> memref<10000xi32, #tpu.memory_space<vmem>>
      %dma_start3A_198 = tpu.memref_slice %arg3[%mul3A_8] : memref<640000xi32, #tpu.memory_space<hbm>> -> memref<10000xi32, #tpu.memory_space<hbm>>
      tpu.enqueue_dma source(%dma_start3A_198 : memref<10000xi32, #tpu.memory_space<hbm>>) target(%dma_start3A_197 : memref<10000xi32, #tpu.memory_space<vmem>>) target_semaphore(%run_scoped3A_190 : memref<!tpu.dma_semaphore, #tpu.memory_space<semaphore_mem>>)
      %dma_wait3A_199 = arith.constant 0 : i32
      %dma_wait3A_200 = tpu.memref_slice %arg11[%run_scoped3A, %dma_wait3A_199] : memref<2x10000xi32, #tpu.memory_space<vmem>> -> memref<1x10000xi32, #tpu.memory_space<vmem>>
      %dma_wait3A_201 = tpu.memref_squeeze %dma_wait3A_200 : memref<1x10000xi32, #tpu.memory_space<vmem>> -> memref<10000xi32, #tpu.memory_space<vmem>>
      %dma_wait3A_202 = tpu.memref_slice %arg3[%mul3A_8] : memref<640000xi32, #tpu.memory_space<hbm>> -> memref<10000xi32, #tpu.memory_space<hbm>>
      %dma_wait3A_203 = arith.constant 0 : i32
      %dma_wait3A_204 = tpu.memref_slice %arg11[%run_scoped3A, %dma_wait3A_203] : memref<2x10000xi32, #tpu.memory_space<vmem>> -> memref<1x10000xi32, #tpu.memory_space<vmem>>
      %dma_wait3A_205 = tpu.memref_squeeze %dma_wait3A_204 : memref<1x10000xi32, #tpu.memory_space<vmem>> -> memref<10000xi32, #tpu.memory_space<vmem>>
      %dma_wait3A_206 = tpu.memref_slice %arg3[%mul3A_8] : memref<640000xi32, #tpu.memory_space<hbm>> -> memref<10000xi32, #tpu.memory_space<hbm>>
      tpu.wait_dma2 semaphore(%run_scoped3A_190 : memref<!tpu.dma_semaphore, #tpu.memory_space<semaphore_mem>>) src(%dma_wait3A_206 : memref<10000xi32, #tpu.memory_space<hbm>>) dst(%dma_wait3A_205 : memref<10000xi32, #tpu.memory_space<vmem>>)
      tpu.yield
    }) : () -> ()
    %mul3A_9 = arith.constant 2 : i32
    %mul3A_10 = arith.muli %add3A, %mul3A_9 : i32
    %add3A_11 = arith.constant 1 : i32
    %add3A_12 = arith.addi %mul3A_10, %add3A_11 : i32
    %mul3A_13 = arith.constant 10000 : i32
    %mul3A_14 = arith.muli %add3A_12, %mul3A_13 : i32
    %run_scoped3A_15 = arith.constant 1 : i32
    "tpu.region"() ({
      %run_scoped3A_190 = tpu.sem_alloc : memref<!tpu.dma_semaphore, #tpu.memory_space<semaphore_mem>>
      %dma_start3A_191 = arith.constant 0 : i32
      %dma_start3A_192 = tpu.memref_slice %arg11[%run_scoped3A_15, %dma_start3A_191] : memref<2x10000xi32, #tpu.memory_space<vmem>> -> memref<1x10000xi32, #tpu.memory_space<vmem>>
      %dma_start3A_193 = tpu.memref_squeeze %dma_start3A_192 : memref<1x10000xi32, #tpu.memory_space<vmem>> -> memref<10000xi32, #tpu.memory_space<vmem>>
      %dma_start3A_194 = tpu.memref_slice %arg3[%mul3A_14] : memref<640000xi32, #tpu.memory_space<hbm>> -> memref<10000xi32, #tpu.memory_space<hbm>>
      %dma_start3A_195 = arith.constant 0 : i32
      %dma_start3A_196 = tpu.memref_slice %arg11[%run_scoped3A_15, %dma_start3A_195] : memref<2x10000xi32, #tpu.memory_space<vmem>> -> memref<1x10000xi32, #tpu.memory_space<vmem>>
      %dma_start3A_197 = tpu.memref_squeeze %dma_start3A_196 : memref<1x10000xi32, #tpu.memory_space<vmem>> -> memref<10000xi32, #tpu.memory_space<vmem>>
      %dma_start3A_198 = tpu.memref_slice %arg3[%mul3A_14] : memref<640000xi32, #tpu.memory_space<hbm>> -> memref<10000xi32, #tpu.memory_space<hbm>>
      tpu.enqueue_dma source(%dma_start3A_198 : memref<10000xi32, #tpu.memory_space<hbm>>) target(%dma_start3A_197 : memref<10000xi32, #tpu.memory_space<vmem>>) target_semaphore(%run_scoped3A_190 : memref<!tpu.dma_semaphore, #tpu.memory_space<semaphore_mem>>)
      %dma_wait3A_199 = arith.constant 0 : i32
      %dma_wait3A_200 = tpu.memref_slice %arg11[%run_scoped3A_15, %dma_wait3A_199] : memref<2x10000xi32, #tpu.memory_space<vmem>> -> memref<1x10000xi32, #tpu.memory_space<vmem>>
      %dma_wait3A_201 = tpu.memref_squeeze %dma_wait3A_200 : memref<1x10000xi32, #tpu.memory_space<vmem>> -> memref<10000xi32, #tpu.memory_space<vmem>>
      %dma_wait3A_202 = tpu.memref_slice %arg3[%mul3A_14] : memref<640000xi32, #tpu.memory_space<hbm>> -> memref<10000xi32, #tpu.memory_space<hbm>>
      %dma_wait3A_203 = arith.constant 0 : i32
      %dma_wait3A_204 = tpu.memref_slice %arg11[%run_scoped3A_15, %dma_wait3A_203] : memref<2x10000xi32, #tpu.memory_space<vmem>> -> memref<1x10000xi32, #tpu.memory_space<vmem>>
      %dma_wait3A_205 = tpu.memref_squeeze %dma_wait3A_204 : memref<1x10000xi32, #tpu.memory_space<vmem>> -> memref<10000xi32, #tpu.memory_space<vmem>>
      %dma_wait3A_206 = tpu.memref_slice %arg3[%mul3A_14] : memref<640000xi32, #tpu.memory_space<hbm>> -> memref<10000xi32, #tpu.memory_space<hbm>>
      tpu.wait_dma2 semaphore(%run_scoped3A_190 : memref<!tpu.dma_semaphore, #tpu.memory_space<semaphore_mem>>) src(%dma_wait3A_206 : memref<10000xi32, #tpu.memory_space<hbm>>) dst(%dma_wait3A_205 : memref<10000xi32, #tpu.memory_space<vmem>>)
      tpu.yield
    }) : () -> ()
    "tpu.region"() ({
      %run_scoped3A_190 = tpu.sem_alloc : memref<!tpu.dma_semaphore, #tpu.memory_space<semaphore_mem>>
      tpu.enqueue_dma source(%arg6 : memref<128xf32, #tpu.memory_space<hbm>>) target(%arg14 : memref<128xf32, #tpu.memory_space<vmem>>) target_semaphore(%run_scoped3A_190 : memref<!tpu.dma_semaphore, #tpu.memory_space<semaphore_mem>>)
      tpu.wait_dma2 semaphore(%run_scoped3A_190 : memref<!tpu.dma_semaphore, #tpu.memory_space<semaphore_mem>>) src(%arg6 : memref<128xf32, #tpu.memory_space<hbm>>) dst(%arg14 : memref<128xf32, #tpu.memory_space<vmem>>)
      tpu.yield
    }) : () -> ()
    %broadcast_in_dim3A = arith.constant 0.000000e+00 : f32
    %broadcast_in_dim3A_16 = vector.broadcast %broadcast_in_dim3A : f32 to vector<16xf32>
    %parallel_loop3A = arith.constant 0 : i32
    %parallel_loop3A_17 = arith.constant 625 : i32
    %parallel_loop3A_18 = arith.constant 1 : i32
    scf.for %parallel_loop3A_190 = %parallel_loop3A to %parallel_loop3A_17 step %parallel_loop3A_18  : i32 {
      %parallel_loop3A_191 = arith.constant 16 : i32
      %parallel_loop3A_192 = arith.muli %parallel_loop3A_190, %parallel_loop3A_191 : i32
      %parallel_loop3A_193 = arith.index_cast %parallel_loop3A_192 : i32 to index
      %parallel_loop3A_194 = tpu.vector_load %arg13[%parallel_loop3A_193] {strides = array<i32>} : memref<10000xf32, #tpu.memory_space<vmem>>, vector<16xf32>,
      tpu.vector_store %arg13[%parallel_loop3A_193], %broadcast_in_dim3A_16 {strides = array<i32>} : memref<10000xf32, #tpu.memory_space<vmem>>, vector<16xf32>,
      %parallel_loop3A_195 = arith.constant 0 : i32
      %parallel_loop3A_196 = arith.index_cast %parallel_loop3A_195 : i32 to index
      %parallel_loop3A_197 = arith.index_cast %parallel_loop3A_192 : i32 to index
      %parallel_loop3A_198 = tpu.vector_load %arg12[%parallel_loop3A_196, %parallel_loop3A_197] {strides = array<i32>} : memref<4x10000xf32, #tpu.memory_space<vmem>>, vector<16xf32>,
      tpu.vector_store %arg12[%parallel_loop3A_196, %parallel_loop3A_197], %broadcast_in_dim3A_16 {strides = array<i32>} : memref<4x10000xf32, #tpu.memory_space<vmem>>, vector<16xf32>,
      %parallel_loop3A_199 = arith.constant 1 : i32
      %parallel_loop3A_200 = arith.index_cast %parallel_loop3A_199 : i32 to index
      %parallel_loop3A_201 = arith.index_cast %parallel_loop3A_192 : i32 to index
      %parallel_loop3A_202 = tpu.vector_load %arg12[%parallel_loop3A_200, %parallel_loop3A_201] {strides = array<i32>} : memref<4x10000xf32, #tpu.memory_space<vmem>>, vector<16xf32>,
      tpu.vector_store %arg12[%parallel_loop3A_200, %parallel_loop3A_201], %broadcast_in_dim3A_16 {strides = array<i32>} : memref<4x10000xf32, #tpu.memory_space<vmem>>, vector<16xf32>,
      %parallel_loop3A_203 = arith.constant 2 : i32
      %parallel_loop3A_204 = arith.index_cast %parallel_loop3A_203 : i32 to index
      %parallel_loop3A_205 = arith.index_cast %parallel_loop3A_192 : i32 to index
      %parallel_loop3A_206 = tpu.vector_load %arg12[%parallel_loop3A_204, %parallel_loop3A_205] {strides = array<i32>} : memref<4x10000xf32, #tpu.memory_space<vmem>>, vector<16xf32>,
      tpu.vector_store %arg12[%parallel_loop3A_204, %parallel_loop3A_205], %broadcast_in_dim3A_16 {strides = array<i32>} : memref<4x10000xf32, #tpu.memory_space<vmem>>, vector<16xf32>,
      %parallel_loop3A_207 = arith.constant 3 : i32
      %parallel_loop3A_208 = arith.index_cast %parallel_loop3A_207 : i32 to index
      %parallel_loop3A_209 = arith.index_cast %parallel_loop3A_192 : i32 to index
      %parallel_loop3A_210 = tpu.vector_load %arg12[%parallel_loop3A_208, %parallel_loop3A_209] {strides = array<i32>} : memref<4x10000xf32, #tpu.memory_space<vmem>>, vector<16xf32>,
      tpu.vector_store %arg12[%parallel_loop3A_208, %parallel_loop3A_209], %broadcast_in_dim3A_16 {strides = array<i32>} : memref<4x10000xf32, #tpu.memory_space<vmem>>, vector<16xf32>,
    } {sc.loop_unroll_factor = 5 : i64, sc.parallel_access}
    %mul3A_19 = arith.constant 20000 : i32
    %mul3A_20 = arith.muli %arg1, %mul3A_19 : i32
    %add3A_21 = arith.constant 0 : i32
    %add3A_22 = arith.addi %mul3A_20, %add3A_21 : i32
    %dma_start3A = arith.constant 0 : i32
    %dma_start3A_23 = arith.constant 0 : i32
    %dma_start3A_24 = tpu.memref_slice %arg15[%dma_start3A, %dma_start3A_23] : memref<2x2000xi32, #tpu.memory_space<vmem>> -> memref<1x2000xi32, #tpu.memory_space<vmem>>
    %dma_start3A_25 = tpu.memref_squeeze %dma_start3A_24 : memref<1x2000xi32, #tpu.memory_space<vmem>> -> memref<2000xi32, #tpu.memory_space<vmem>>
    %dma_start3A_26 = tpu.memref_slice %arg2[%add3A_22] : memref<320000xi32, #tpu.memory_space<hbm>> -> memref<2000xi32, #tpu.memory_space<hbm>>
    %dma_start3A_27 = arith.constant 0 : i32
    %dma_start3A_28 = tpu.memref_slice %arg15[%dma_start3A, %dma_start3A_27] : memref<2x2000xi32, #tpu.memory_space<vmem>> -> memref<1x2000xi32, #tpu.memory_space<vmem>>
    %dma_start3A_29 = tpu.memref_squeeze %dma_start3A_28 : memref<1x2000xi32, #tpu.memory_space<vmem>> -> memref<2000xi32, #tpu.memory_space<vmem>>
    %dma_start3A_30 = tpu.memref_slice %arg2[%add3A_22] : memref<320000xi32, #tpu.memory_space<hbm>> -> memref<2000xi32, #tpu.memory_space<hbm>>
    tpu.enqueue_dma source(%dma_start3A_30 : memref<2000xi32, #tpu.memory_space<hbm>>) target(%dma_start3A_29 : memref<2000xi32, #tpu.memory_space<vmem>>) target_semaphore(%arg17 : memref<!tpu.dma_semaphore, #tpu.memory_space<semaphore_mem>>)
    %add3A_31 = arith.constant 2000 : i32
    %add3A_32 = arith.addi %mul3A_20, %add3A_31 : i32
    %dma_start3A_33 = arith.constant 1 : i32
    %dma_start3A_34 = arith.constant 0 : i32
    %dma_start3A_35 = tpu.memref_slice %arg15[%dma_start3A_33, %dma_start3A_34] : memref<2x2000xi32, #tpu.memory_space<vmem>> -> memref<1x2000xi32, #tpu.memory_space<vmem>>
    %dma_start3A_36 = tpu.memref_squeeze %dma_start3A_35 : memref<1x2000xi32, #tpu.memory_space<vmem>> -> memref<2000xi32, #tpu.memory_space<vmem>>
    %dma_start3A_37 = tpu.memref_slice %arg2[%add3A_32] : memref<320000xi32, #tpu.memory_space<hbm>> -> memref<2000xi32, #tpu.memory_space<hbm>>
    %dma_start3A_38 = arith.constant 0 : i32
    %dma_start3A_39 = tpu.memref_slice %arg15[%dma_start3A_33, %dma_start3A_38] : memref<2x2000xi32, #tpu.memory_space<vmem>> -> memref<1x2000xi32, #tpu.memory_space<vmem>>
    %dma_start3A_40 = tpu.memref_squeeze %dma_start3A_39 : memref<1x2000xi32, #tpu.memory_space<vmem>> -> memref<2000xi32, #tpu.memory_space<vmem>>
    %dma_start3A_41 = tpu.memref_slice %arg2[%add3A_32] : memref<320000xi32, #tpu.memory_space<hbm>> -> memref<2000xi32, #tpu.memory_space<hbm>>
    tpu.enqueue_dma source(%dma_start3A_41 : memref<2000xi32, #tpu.memory_space<hbm>>) target(%dma_start3A_40 : memref<2000xi32, #tpu.memory_space<vmem>>) target_semaphore(%arg18 : memref<!tpu.dma_semaphore, #tpu.memory_space<semaphore_mem>>)
    %scan3A = arith.constant 0 : i32
    %scan3A_42 = arith.constant 0 : i32
    %scan3A_43 = arith.constant 1 : i32
    %scan3A_44 = arith.constant 1 : i32
    %scan3A_45 = arith.constant 0 : i32
    %scan3A_46 = arith.constant 0 : i32
    %scan3A_47 = arith.constant 5 : i32
    %scan3A_48 = arith.addi %scan3A_46, %scan3A_47 : i32
    %scan3A_49 = arith.constant 1 : i32
    %scan3A_50 = scf.for %scan3A_190 = %scan3A_46 to %scan3A_48 step %scan3A_49 iter_args(%scan3A_191 = %scan3A_45) -> (i32)  : i32 {
      %mul3A_192 = arith.constant 2 : i32
      %mul3A_193 = arith.muli %scan3A_190, %mul3A_192 : i32
      %add3A_194 = arith.constant 0 : i32
      %add3A_195 = arith.addi %mul3A_193, %add3A_194 : i32
      %mul3A_196 = arith.constant 2000 : i32
      %mul3A_197 = arith.muli %add3A_195, %mul3A_196 : i32
      %add3A_198 = arith.addi %mul3A_20, %mul3A_197 : i32
      %dma_wait3A_199 = arith.constant 0 : i32
      %dma_wait3A_200 = tpu.memref_slice %arg15[%scan3A, %dma_wait3A_199] : memref<2x2000xi32, #tpu.memory_space<vmem>> -> memref<1x2000xi32, #tpu.memory_space<vmem>>
      %dma_wait3A_201 = tpu.memref_squeeze %dma_wait3A_200 : memref<1x2000xi32, #tpu.memory_space<vmem>> -> memref<2000xi32, #tpu.memory_space<vmem>>
      %dma_wait3A_202 = tpu.memref_slice %arg2[%add3A_198] : memref<320000xi32, #tpu.memory_space<hbm>> -> memref<2000xi32, #tpu.memory_space<hbm>>
      %dma_wait3A_203 = arith.constant 0 : i32
      %dma_wait3A_204 = tpu.memref_slice %arg15[%scan3A, %dma_wait3A_203] : memref<2x2000xi32, #tpu.memory_space<vmem>> -> memref<1x2000xi32, #tpu.memory_space<vmem>>
      %dma_wait3A_205 = tpu.memref_squeeze %dma_wait3A_204 : memref<1x2000xi32, #tpu.memory_space<vmem>> -> memref<2000xi32, #tpu.memory_space<vmem>>
      %dma_wait3A_206 = tpu.memref_slice %arg2[%add3A_198] : memref<320000xi32, #tpu.memory_space<hbm>> -> memref<2000xi32, #tpu.memory_space<hbm>>
      tpu.wait_dma2 semaphore(%arg17 : memref<!tpu.dma_semaphore, #tpu.memory_space<semaphore_mem>>) src(%dma_wait3A_206 : memref<2000xi32, #tpu.memory_space<hbm>>) dst(%dma_wait3A_205 : memref<2000xi32, #tpu.memory_space<vmem>>)
      %ge3A = arith.constant 2 : i32
      %ge3A_207 = arith.cmpi sge, %add3A_195, %ge3A : i32
      %convert_element_type3A = arith.extui %ge3A_207 : i1 to i32
      %cond3A = arith.constant 0 : i32
      %cond3A_208 = arith.cmpi ne, %convert_element_type3A, %cond3A : i32
      scf.if %cond3A_208 {
        %sub3A = arith.constant 2 : i32
        %sub3A_277 = arith.subi %add3A_195, %sub3A : i32
        %mul3A_278 = arith.constant 320000 : i32
        %mul3A_279 = arith.muli %arg0, %mul3A_278 : i32
        %add3A_280 = arith.addi %mul3A_279, %mul3A_20 : i32
        %mul3A_281 = arith.constant 2000 : i32
        %mul3A_282 = arith.muli %sub3A_277, %mul3A_281 : i32
        %add3A_283 = arith.addi %add3A_280, %mul3A_282 : i32
        %dma_wait3A_284 = arith.constant 0 : i32
        %dma_wait3A_285 = tpu.memref_slice %arg16[%scan3A_42, %dma_wait3A_284] : memref<2x2000xf32, #tpu.memory_space<vmem>> -> memref<1x2000xf32, #tpu.memory_space<vmem>>
        %dma_wait3A_286 = tpu.memref_squeeze %dma_wait3A_285 : memref<1x2000xf32, #tpu.memory_space<vmem>> -> memref<2000xf32, #tpu.memory_space<vmem>>
        %dma_wait3A_287 = tpu.memref_slice %arg8[%add3A_283] : memref<640000xf32, #tpu.memory_space<hbm>> -> memref<2000xf32, #tpu.memory_space<hbm>>
        %dma_wait3A_288 = tpu.memref_slice %arg8[%add3A_283] : memref<640000xf32, #tpu.memory_space<hbm>> -> memref<2000xf32, #tpu.memory_space<hbm>>
        %dma_wait3A_289 = arith.constant 0 : i32
        %dma_wait3A_290 = tpu.memref_slice %arg16[%scan3A_42, %dma_wait3A_289] : memref<2x2000xf32, #tpu.memory_space<vmem>> -> memref<1x2000xf32, #tpu.memory_space<vmem>>
        %dma_wait3A_291 = tpu.memref_squeeze %dma_wait3A_290 : memref<1x2000xf32, #tpu.memory_space<vmem>> -> memref<2000xf32, #tpu.memory_space<vmem>>
        tpu.wait_dma2 semaphore(%arg19 : memref<!tpu.dma_semaphore, #tpu.memory_space<semaphore_mem>>) src(%dma_wait3A_291 : memref<2000xf32, #tpu.memory_space<vmem>>) dst(%dma_wait3A_288 : memref<2000xf32, #tpu.memory_space<hbm>>)
      } else {
      }
      %parallel_loop3A_209 = arith.constant 0 : i32
      %parallel_loop3A_210 = arith.constant 125 : i32
      %parallel_loop3A_211 = arith.constant 1 : i32
      scf.for %parallel_loop3A_277 = %parallel_loop3A_209 to %parallel_loop3A_210 step %parallel_loop3A_211  : i32 {
        %parallel_loop3A_278 = arith.constant 16 : i32
        %parallel_loop3A_279 = arith.muli %parallel_loop3A_277, %parallel_loop3A_278 : i32
        %parallel_loop3A_280 = arith.constant 0 : i32
        %parallel_loop3A_281 = tpu.memref_slice %arg15[%scan3A, %parallel_loop3A_280] : memref<2x2000xi32, #tpu.memory_space<vmem>> -> memref<1x2000xi32, #tpu.memory_space<vmem>>
        %parallel_loop3A_282 = tpu.memref_squeeze %parallel_loop3A_281 : memref<1x2000xi32, #tpu.memory_space<vmem>> -> memref<2000xi32, #tpu.memory_space<vmem>>
        %parallel_loop3A_283 = arith.index_cast %parallel_loop3A_279 : i32 to index
        %parallel_loop3A_284 = tpu.vector_load %parallel_loop3A_282[%parallel_loop3A_283] {strides = array<i32>} : memref<2000xi32, #tpu.memory_space<vmem>>, vector<16xi32>,
        %parallel_loop3A_285 = arith.constant 14 : i32
        %parallel_loop3A_286 = vector.broadcast %parallel_loop3A_285 : i32 to vector<16xi32>
        %parallel_loop3A_287 = arith.shrui %parallel_loop3A_284, %parallel_loop3A_286 : vector<16xi32>
        %parallel_loop3A_288 = arith.constant 16383 : i32
        %parallel_loop3A_289 = vector.broadcast %parallel_loop3A_288 : i32 to vector<16xi32>
        %parallel_loop3A_290 = arith.andi %parallel_loop3A_284, %parallel_loop3A_289 : vector<16xi32>
        %parallel_loop3A_291 = tpu.vector_load_idx %arg9[%parallel_loop3A_290] : memref<10000xf32, #tpu.memory_space<vmem>>[vector<16xi32>], vector<16xf32>,
        %parallel_loop3A_292 = tpu.vector_load_idx %arg10[%parallel_loop3A_287] : memref<10000xf32, #tpu.memory_space<vmem>>[vector<16xi32>], vector<16xf32>,
        %parallel_loop3A_293 = arith.addf %parallel_loop3A_291, %parallel_loop3A_292 : vector<16xf32>
        %parallel_loop3A_294 = arith.constant 2.000000e-01 : f32
        %parallel_loop3A_295 = vector.broadcast %parallel_loop3A_294 : f32 to vector<16xf32>
        %parallel_loop3A_296 = arith.mulf %parallel_loop3A_295, %parallel_loop3A_293 : vector<16xf32>
        %parallel_loop3A_297 = arith.maximumf %parallel_loop3A_293, %parallel_loop3A_296 : vector<16xf32>
        %parallel_loop3A_298 = math.exp %parallel_loop3A_297 : vector<16xf32>
        %parallel_loop3A_299 = arith.constant 0 : i32
        %parallel_loop3A_300 = tpu.memref_slice %arg16[%scan3A_42, %parallel_loop3A_299] : memref<2x2000xf32, #tpu.memory_space<vmem>> -> memref<1x2000xf32, #tpu.memory_space<vmem>>
        %parallel_loop3A_301 = tpu.memref_squeeze %parallel_loop3A_300 : memref<1x2000xf32, #tpu.memory_space<vmem>> -> memref<2000xf32, #tpu.memory_space<vmem>>
        %parallel_loop3A_302 = arith.index_cast %parallel_loop3A_279 : i32 to index
        %parallel_loop3A_303 = tpu.vector_load %parallel_loop3A_301[%parallel_loop3A_302] {strides = array<i32>} : memref<2000xf32, #tpu.memory_space<vmem>>, vector<16xf32>,
        tpu.vector_store %parallel_loop3A_301[%parallel_loop3A_302], %parallel_loop3A_298 {strides = array<i32>} : memref<2000xf32, #tpu.memory_space<vmem>>, vector<16xf32>,
      } {sc.loop_unroll_factor = 5 : i64, sc.parallel_access}
      %mul3A_212 = arith.constant 320000 : i32
      %mul3A_213 = arith.muli %arg0, %mul3A_212 : i32
      %add3A_214 = arith.addi %mul3A_213, %mul3A_20 : i32
      %mul3A_215 = arith.constant 2000 : i32
      %mul3A_216 = arith.muli %add3A_195, %mul3A_215 : i32
      %add3A_217 = arith.addi %add3A_214, %mul3A_216 : i32
      %dma_start3A_218 = arith.constant 0 : i32
      %dma_start3A_219 = tpu.memref_slice %arg16[%scan3A_42, %dma_start3A_218] : memref<2x2000xf32, #tpu.memory_space<vmem>> -> memref<1x2000xf32, #tpu.memory_space<vmem>>
      %dma_start3A_220 = tpu.memref_squeeze %dma_start3A_219 : memref<1x2000xf32, #tpu.memory_space<vmem>> -> memref<2000xf32, #tpu.memory_space<vmem>>
      %dma_start3A_221 = tpu.memref_slice %arg8[%add3A_217] : memref<640000xf32, #tpu.memory_space<hbm>> -> memref<2000xf32, #tpu.memory_space<hbm>>
      %dma_start3A_222 = tpu.memref_slice %arg8[%add3A_217] : memref<640000xf32, #tpu.memory_space<hbm>> -> memref<2000xf32, #tpu.memory_space<hbm>>
      %dma_start3A_223 = arith.constant 0 : i32
      %dma_start3A_224 = tpu.memref_slice %arg16[%scan3A_42, %dma_start3A_223] : memref<2x2000xf32, #tpu.memory_space<vmem>> -> memref<1x2000xf32, #tpu.memory_space<vmem>>
      %dma_start3A_225 = tpu.memref_squeeze %dma_start3A_224 : memref<1x2000xf32, #tpu.memory_space<vmem>> -> memref<2000xf32, #tpu.memory_space<vmem>>
      tpu.enqueue_dma source(%dma_start3A_225 : memref<2000xf32, #tpu.memory_space<vmem>>) target(%dma_start3A_222 : memref<2000xf32, #tpu.memory_space<hbm>>) target_semaphore(%arg19 : memref<!tpu.dma_semaphore, #tpu.memory_space<semaphore_mem>>)
      %add3A_226 = arith.constant 2 : i32
      %add3A_227 = arith.addi %add3A_195, %add3A_226 : i32
      %lt3A = arith.constant 10 : i32
      %lt3A_228 = arith.cmpi slt, %add3A_227, %lt3A : i32
      %convert_element_type3A_229 = arith.extui %lt3A_228 : i1 to i32
      %cond3A_230 = arith.constant 0 : i32
      %cond3A_231 = arith.cmpi ne, %convert_element_type3A_229, %cond3A_230 : i32
      scf.if %cond3A_231 {
        %add3A_277 = arith.constant 2 : i32
        %add3A_278 = arith.addi %add3A_195, %add3A_277 : i32
        %mul3A_279 = arith.constant 2000 : i32
        %mul3A_280 = arith.muli %add3A_278, %mul3A_279 : i32
        %add3A_281 = arith.addi %mul3A_20, %mul3A_280 : i32
        %dma_start3A_282 = arith.constant 0 : i32
        %dma_start3A_283 = tpu.memref_slice %arg15[%scan3A, %dma_start3A_282] : memref<2x2000xi32, #tpu.memory_space<vmem>> -> memref<1x2000xi32, #tpu.memory_space<vmem>>
        %dma_start3A_284 = tpu.memref_squeeze %dma_start3A_283 : memref<1x2000xi32, #tpu.memory_space<vmem>> -> memref<2000xi32, #tpu.memory_space<vmem>>
        %dma_start3A_285 = tpu.memref_slice %arg2[%add3A_281] : memref<320000xi32, #tpu.memory_space<hbm>> -> memref<2000xi32, #tpu.memory_space<hbm>>
        %dma_start3A_286 = arith.constant 0 : i32
        %dma_start3A_287 = tpu.memref_slice %arg15[%scan3A, %dma_start3A_286] : memref<2x2000xi32, #tpu.memory_space<vmem>> -> memref<1x2000xi32, #tpu.memory_space<vmem>>
        %dma_start3A_288 = tpu.memref_squeeze %dma_start3A_287 : memref<1x2000xi32, #tpu.memory_space<vmem>> -> memref<2000xi32, #tpu.memory_space<vmem>>
        %dma_start3A_289 = tpu.memref_slice %arg2[%add3A_281] : memref<320000xi32, #tpu.memory_space<hbm>> -> memref<2000xi32, #tpu.memory_space<hbm>>
        tpu.enqueue_dma source(%dma_start3A_289 : memref<2000xi32, #tpu.memory_space<hbm>>) target(%dma_start3A_288 : memref<2000xi32, #tpu.memory_space<vmem>>) target_semaphore(%arg17 : memref<!tpu.dma_semaphore, #tpu.memory_space<semaphore_mem>>)
      } else {
      }
      %mul3A_232 = arith.constant 2 : i32
      %mul3A_233 = arith.muli %scan3A_190, %mul3A_232 : i32
      %add3A_234 = arith.constant 1 : i32
      %add3A_235 = arith.addi %mul3A_233, %add3A_234 : i32
      %mul3A_236 = arith.constant 2000 : i32
      %mul3A_237 = arith.muli %add3A_235, %mul3A_236 : i32
      %add3A_238 = arith.addi %mul3A_20, %mul3A_237 : i32
      %dma_wait3A_239 = arith.constant 0 : i32
      %dma_wait3A_240 = tpu.memref_slice %arg15[%scan3A_43, %dma_wait3A_239] : memref<2x2000xi32, #tpu.memory_space<vmem>> -> memref<1x2000xi32, #tpu.memory_space<vmem>>
      %dma_wait3A_241 = tpu.memref_squeeze %dma_wait3A_240 : memref<1x2000xi32, #tpu.memory_space<vmem>> -> memref<2000xi32, #tpu.memory_space<vmem>>
      %dma_wait3A_242 = tpu.memref_slice %arg2[%add3A_238] : memref<320000xi32, #tpu.memory_space<hbm>> -> memref<2000xi32, #tpu.memory_space<hbm>>
      %dma_wait3A_243 = arith.constant 0 : i32
      %dma_wait3A_244 = tpu.memref_slice %arg15[%scan3A_43, %dma_wait3A_243] : memref<2x2000xi32, #tpu.memory_space<vmem>> -> memref<1x2000xi32, #tpu.memory_space<vmem>>
      %dma_wait3A_245 = tpu.memref_squeeze %dma_wait3A_244 : memref<1x2000xi32, #tpu.memory_space<vmem>> -> memref<2000xi32, #tpu.memory_space<vmem>>
      %dma_wait3A_246 = tpu.memref_slice %arg2[%add3A_238] : memref<320000xi32, #tpu.memory_space<hbm>> -> memref<2000xi32, #tpu.memory_space<hbm>>
      tpu.wait_dma2 semaphore(%arg18 : memref<!tpu.dma_semaphore, #tpu.memory_space<semaphore_mem>>) src(%dma_wait3A_246 : memref<2000xi32, #tpu.memory_space<hbm>>) dst(%dma_wait3A_245 : memref<2000xi32, #tpu.memory_space<vmem>>)
      %ge3A_247 = arith.constant 2 : i32
      %ge3A_248 = arith.cmpi sge, %add3A_235, %ge3A_247 : i32
      %convert_element_type3A_249 = arith.extui %ge3A_248 : i1 to i32
      %cond3A_250 = arith.constant 0 : i32
      %cond3A_251 = arith.cmpi ne, %convert_element_type3A_249, %cond3A_250 : i32
      scf.if %cond3A_251 {
        %sub3A = arith.constant 2 : i32
        %sub3A_277 = arith.subi %add3A_235, %sub3A : i32
        %mul3A_278 = arith.constant 320000 : i32
        %mul3A_279 = arith.muli %arg0, %mul3A_278 : i32
        %add3A_280 = arith.addi %mul3A_279, %mul3A_20 : i32
        %mul3A_281 = arith.constant 2000 : i32
        %mul3A_282 = arith.muli %sub3A_277, %mul3A_281 : i32
        %add3A_283 = arith.addi %add3A_280, %mul3A_282 : i32
        %dma_wait3A_284 = arith.constant 0 : i32
        %dma_wait3A_285 = tpu.memref_slice %arg16[%scan3A_44, %dma_wait3A_284] : memref<2x2000xf32, #tpu.memory_space<vmem>> -> memref<1x2000xf32, #tpu.memory_space<vmem>>
        %dma_wait3A_286 = tpu.memref_squeeze %dma_wait3A_285 : memref<1x2000xf32, #tpu.memory_space<vmem>> -> memref<2000xf32, #tpu.memory_space<vmem>>
        %dma_wait3A_287 = tpu.memref_slice %arg8[%add3A_283] : memref<640000xf32, #tpu.memory_space<hbm>> -> memref<2000xf32, #tpu.memory_space<hbm>>
        %dma_wait3A_288 = tpu.memref_slice %arg8[%add3A_283] : memref<640000xf32, #tpu.memory_space<hbm>> -> memref<2000xf32, #tpu.memory_space<hbm>>
        %dma_wait3A_289 = arith.constant 0 : i32
        %dma_wait3A_290 = tpu.memref_slice %arg16[%scan3A_44, %dma_wait3A_289] : memref<2x2000xf32, #tpu.memory_space<vmem>> -> memref<1x2000xf32, #tpu.memory_space<vmem>>
        %dma_wait3A_291 = tpu.memref_squeeze %dma_wait3A_290 : memref<1x2000xf32, #tpu.memory_space<vmem>> -> memref<2000xf32, #tpu.memory_space<vmem>>
        tpu.wait_dma2 semaphore(%arg20 : memref<!tpu.dma_semaphore, #tpu.memory_space<semaphore_mem>>) src(%dma_wait3A_291 : memref<2000xf32, #tpu.memory_space<vmem>>) dst(%dma_wait3A_288 : memref<2000xf32, #tpu.memory_space<hbm>>)
      } else {
      }
      %parallel_loop3A_252 = arith.constant 0 : i32
      %parallel_loop3A_253 = arith.constant 125 : i32
      %parallel_loop3A_254 = arith.constant 1 : i32
      scf.for %parallel_loop3A_277 = %parallel_loop3A_252 to %parallel_loop3A_253 step %parallel_loop3A_254  : i32 {
        %parallel_loop3A_278 = arith.constant 16 : i32
        %parallel_loop3A_279 = arith.muli %parallel_loop3A_277, %parallel_loop3A_278 : i32
        %parallel_loop3A_280 = arith.constant 0 : i32
        %parallel_loop3A_281 = tpu.memref_slice %arg15[%scan3A_43, %parallel_loop3A_280] : memref<2x2000xi32, #tpu.memory_space<vmem>> -> memref<1x2000xi32, #tpu.memory_space<vmem>>
        %parallel_loop3A_282 = tpu.memref_squeeze %parallel_loop3A_281 : memref<1x2000xi32, #tpu.memory_space<vmem>> -> memref<2000xi32, #tpu.memory_space<vmem>>
        %parallel_loop3A_283 = arith.index_cast %parallel_loop3A_279 : i32 to index
        %parallel_loop3A_284 = tpu.vector_load %parallel_loop3A_282[%parallel_loop3A_283] {strides = array<i32>} : memref<2000xi32, #tpu.memory_space<vmem>>, vector<16xi32>,
        %parallel_loop3A_285 = arith.constant 14 : i32
        %parallel_loop3A_286 = vector.broadcast %parallel_loop3A_285 : i32 to vector<16xi32>
        %parallel_loop3A_287 = arith.shrui %parallel_loop3A_284, %parallel_loop3A_286 : vector<16xi32>
        %parallel_loop3A_288 = arith.constant 16383 : i32
        %parallel_loop3A_289 = vector.broadcast %parallel_loop3A_288 : i32 to vector<16xi32>
        %parallel_loop3A_290 = arith.andi %parallel_loop3A_284, %parallel_loop3A_289 : vector<16xi32>
        %parallel_loop3A_291 = tpu.vector_load_idx %arg9[%parallel_loop3A_290] : memref<10000xf32, #tpu.memory_space<vmem>>[vector<16xi32>], vector<16xf32>,
        %parallel_loop3A_292 = tpu.vector_load_idx %arg10[%parallel_loop3A_287] : memref<10000xf32, #tpu.memory_space<vmem>>[vector<16xi32>], vector<16xf32>,
        %parallel_loop3A_293 = arith.addf %parallel_loop3A_291, %parallel_loop3A_292 : vector<16xf32>
        %parallel_loop3A_294 = arith.constant 2.000000e-01 : f32
        %parallel_loop3A_295 = vector.broadcast %parallel_loop3A_294 : f32 to vector<16xf32>
        %parallel_loop3A_296 = arith.mulf %parallel_loop3A_295, %parallel_loop3A_293 : vector<16xf32>
        %parallel_loop3A_297 = arith.maximumf %parallel_loop3A_293, %parallel_loop3A_296 : vector<16xf32>
        %parallel_loop3A_298 = math.exp %parallel_loop3A_297 : vector<16xf32>
        %parallel_loop3A_299 = arith.constant 0 : i32
        %parallel_loop3A_300 = tpu.memref_slice %arg16[%scan3A_44, %parallel_loop3A_299] : memref<2x2000xf32, #tpu.memory_space<vmem>> -> memref<1x2000xf32, #tpu.memory_space<vmem>>
        %parallel_loop3A_301 = tpu.memref_squeeze %parallel_loop3A_300 : memref<1x2000xf32, #tpu.memory_space<vmem>> -> memref<2000xf32, #tpu.memory_space<vmem>>
        %parallel_loop3A_302 = arith.index_cast %parallel_loop3A_279 : i32 to index
        %parallel_loop3A_303 = tpu.vector_load %parallel_loop3A_301[%parallel_loop3A_302] {strides = array<i32>} : memref<2000xf32, #tpu.memory_space<vmem>>, vector<16xf32>,
        tpu.vector_store %parallel_loop3A_301[%parallel_loop3A_302], %parallel_loop3A_298 {strides = array<i32>} : memref<2000xf32, #tpu.memory_space<vmem>>, vector<16xf32>,
      } {sc.loop_unroll_factor = 5 : i64, sc.parallel_access}
      %mul3A_255 = arith.constant 320000 : i32
      %mul3A_256 = arith.muli %arg0, %mul3A_255 : i32
      %add3A_257 = arith.addi %mul3A_256, %mul3A_20 : i32
      %mul3A_258 = arith.constant 2000 : i32
      %mul3A_259 = arith.muli %add3A_235, %mul3A_258 : i32
      %add3A_260 = arith.addi %add3A_257, %mul3A_259 : i32
      %dma_start3A_261 = arith.constant 0 : i32
      %dma_start3A_262 = tpu.memref_slice %arg16[%scan3A_44, %dma_start3A_261] : memref<2x2000xf32, #tpu.memory_space<vmem>> -> memref<1x2000xf32, #tpu.memory_space<vmem>>
      %dma_start3A_263 = tpu.memref_squeeze %dma_start3A_262 : memref<1x2000xf32, #tpu.memory_space<vmem>> -> memref<2000xf32, #tpu.memory_space<vmem>>
      %dma_start3A_264 = tpu.memref_slice %arg8[%add3A_260] : memref<640000xf32, #tpu.memory_space<hbm>> -> memref<2000xf32, #tpu.memory_space<hbm>>
      %dma_start3A_265 = tpu.memref_slice %arg8[%add3A_260] : memref<640000xf32, #tpu.memory_space<hbm>> -> memref<2000xf32, #tpu.memory_space<hbm>>
      %dma_start3A_266 = arith.constant 0 : i32
      %dma_start3A_267 = tpu.memref_slice %arg16[%scan3A_44, %dma_start3A_266] : memref<2x2000xf32, #tpu.memory_space<vmem>> -> memref<1x2000xf32, #tpu.memory_space<vmem>>
      %dma_start3A_268 = tpu.memref_squeeze %dma_start3A_267 : memref<1x2000xf32, #tpu.memory_space<vmem>> -> memref<2000xf32, #tpu.memory_space<vmem>>
      tpu.enqueue_dma source(%dma_start3A_268 : memref<2000xf32, #tpu.memory_space<vmem>>) target(%dma_start3A_265 : memref<2000xf32, #tpu.memory_space<hbm>>) target_semaphore(%arg20 : memref<!tpu.dma_semaphore, #tpu.memory_space<semaphore_mem>>)
      %add3A_269 = arith.constant 2 : i32
      %add3A_270 = arith.addi %add3A_235, %add3A_269 : i32
      %lt3A_271 = arith.constant 10 : i32
      %lt3A_272 = arith.cmpi slt, %add3A_270, %lt3A_271 : i32
      %convert_element_type3A_273 = arith.extui %lt3A_272 : i1 to i32
      %cond3A_274 = arith.constant 0 : i32
      %cond3A_275 = arith.cmpi ne, %convert_element_type3A_273, %cond3A_274 : i32
      scf.if %cond3A_275 {
        %add3A_277 = arith.constant 2 : i32
        %add3A_278 = arith.addi %add3A_235, %add3A_277 : i32
        %mul3A_279 = arith.constant 2000 : i32
        %mul3A_280 = arith.muli %add3A_278, %mul3A_279 : i32
        %add3A_281 = arith.addi %mul3A_20, %mul3A_280 : i32
        %dma_start3A_282 = arith.constant 0 : i32
        %dma_start3A_283 = tpu.memref_slice %arg15[%scan3A_43, %dma_start3A_282] : memref<2x2000xi32, #tpu.memory_space<vmem>> -> memref<1x2000xi32, #tpu.memory_space<vmem>>
        %dma_start3A_284 = tpu.memref_squeeze %dma_start3A_283 : memref<1x2000xi32, #tpu.memory_space<vmem>> -> memref<2000xi32, #tpu.memory_space<vmem>>
        %dma_start3A_285 = tpu.memref_slice %arg2[%add3A_281] : memref<320000xi32, #tpu.memory_space<hbm>> -> memref<2000xi32, #tpu.memory_space<hbm>>
        %dma_start3A_286 = arith.constant 0 : i32
        %dma_start3A_287 = tpu.memref_slice %arg15[%scan3A_43, %dma_start3A_286] : memref<2x2000xi32, #tpu.memory_space<vmem>> -> memref<1x2000xi32, #tpu.memory_space<vmem>>
        %dma_start3A_288 = tpu.memref_squeeze %dma_start3A_287 : memref<1x2000xi32, #tpu.memory_space<vmem>> -> memref<2000xi32, #tpu.memory_space<vmem>>
        %dma_start3A_289 = tpu.memref_slice %arg2[%add3A_281] : memref<320000xi32, #tpu.memory_space<hbm>> -> memref<2000xi32, #tpu.memory_space<hbm>>
        tpu.enqueue_dma source(%dma_start3A_289 : memref<2000xi32, #tpu.memory_space<hbm>>) target(%dma_start3A_288 : memref<2000xi32, #tpu.memory_space<vmem>>) target_semaphore(%arg18 : memref<!tpu.dma_semaphore, #tpu.memory_space<semaphore_mem>>)
      } else {
      }
      %scan3A_276 = arith.constant 0 : i32
      scf.yield %scan3A_276 : i32
    }
    %scan3A_51 = arith.constant 5 : i32
    %mul3A_52 = arith.constant 320000 : i32
    %mul3A_53 = arith.muli %arg0, %mul3A_52 : i32
    %add3A_54 = arith.addi %mul3A_53, %mul3A_20 : i32
    %add3A_55 = arith.constant 16000 : i32
    %add3A_56 = arith.addi %add3A_54, %add3A_55 : i32
    %dma_wait3A = arith.constant 0 : i32
    %dma_wait3A_57 = arith.constant 0 : i32
    %dma_wait3A_58 = tpu.memref_slice %arg16[%dma_wait3A, %dma_wait3A_57] : memref<2x2000xf32, #tpu.memory_space<vmem>> -> memref<1x2000xf32, #tpu.memory_space<vmem>>
    %dma_wait3A_59 = tpu.memref_squeeze %dma_wait3A_58 : memref<1x2000xf32, #tpu.memory_space<vmem>> -> memref<2000xf32, #tpu.memory_space<vmem>>
    %dma_wait3A_60 = tpu.memref_slice %arg8[%add3A_56] : memref<640000xf32, #tpu.memory_space<hbm>> -> memref<2000xf32, #tpu.memory_space<hbm>>
    %dma_wait3A_61 = tpu.memref_slice %arg8[%add3A_56] : memref<640000xf32, #tpu.memory_space<hbm>> -> memref<2000xf32, #tpu.memory_space<hbm>>
    %dma_wait3A_62 = arith.constant 0 : i32
    %dma_wait3A_63 = tpu.memref_slice %arg16[%dma_wait3A, %dma_wait3A_62] : memref<2x2000xf32, #tpu.memory_space<vmem>> -> memref<1x2000xf32, #tpu.memory_space<vmem>>
    %dma_wait3A_64 = tpu.memref_squeeze %dma_wait3A_63 : memref<1x2000xf32, #tpu.memory_space<vmem>> -> memref<2000xf32, #tpu.memory_space<vmem>>
    tpu.wait_dma2 semaphore(%arg19 : memref<!tpu.dma_semaphore, #tpu.memory_space<semaphore_mem>>) src(%dma_wait3A_64 : memref<2000xf32, #tpu.memory_space<vmem>>) dst(%dma_wait3A_61 : memref<2000xf32, #tpu.memory_space<hbm>>)
    %mul3A_65 = arith.constant 320000 : i32
    %mul3A_66 = arith.muli %arg0, %mul3A_65 : i32
    %add3A_67 = arith.addi %mul3A_66, %mul3A_20 : i32
    %add3A_68 = arith.constant 18000 : i32
    %add3A_69 = arith.addi %add3A_67, %add3A_68 : i32
    %dma_wait3A_70 = arith.constant 1 : i32
    %dma_wait3A_71 = arith.constant 0 : i32
    %dma_wait3A_72 = tpu.memref_slice %arg16[%dma_wait3A_70, %dma_wait3A_71] : memref<2x2000xf32, #tpu.memory_space<vmem>> -> memref<1x2000xf32, #tpu.memory_space<vmem>>
    %dma_wait3A_73 = tpu.memref_squeeze %dma_wait3A_72 : memref<1x2000xf32, #tpu.memory_space<vmem>> -> memref<2000xf32, #tpu.memory_space<vmem>>
    %dma_wait3A_74 = tpu.memref_slice %arg8[%add3A_69] : memref<640000xf32, #tpu.memory_space<hbm>> -> memref<2000xf32, #tpu.memory_space<hbm>>
    %dma_wait3A_75 = tpu.memref_slice %arg8[%add3A_69] : memref<640000xf32, #tpu.memory_space<hbm>> -> memref<2000xf32, #tpu.memory_space<hbm>>
    %dma_wait3A_76 = arith.constant 0 : i32
    %dma_wait3A_77 = tpu.memref_slice %arg16[%dma_wait3A_70, %dma_wait3A_76] : memref<2x2000xf32, #tpu.memory_space<vmem>> -> memref<1x2000xf32, #tpu.memory_space<vmem>>
    %dma_wait3A_78 = tpu.memref_squeeze %dma_wait3A_77 : memref<1x2000xf32, #tpu.memory_space<vmem>> -> memref<2000xf32, #tpu.memory_space<vmem>>
    tpu.wait_dma2 semaphore(%arg20 : memref<!tpu.dma_semaphore, #tpu.memory_space<semaphore_mem>>) src(%dma_wait3A_78 : memref<2000xf32, #tpu.memory_space<vmem>>) dst(%dma_wait3A_75 : memref<2000xf32, #tpu.memory_space<hbm>>)
    %barrier3A = arith.constant 0 : index
    tpu.barrier barrier_id(%barrier3A)
    %broadcast_in_dim3A_79 = arith.constant 0 : i32
    %broadcast_in_dim3A_80 = vector.broadcast %broadcast_in_dim3A_79 : i32 to vector<16xi32>
    %broadcast_in_dim3A_81 = arith.constant 1 : i32
    %broadcast_in_dim3A_82 = vector.broadcast %broadcast_in_dim3A_81 : i32 to vector<16xi32>
    %broadcast_in_dim3A_83 = arith.constant 2 : i32
    %broadcast_in_dim3A_84 = vector.broadcast %broadcast_in_dim3A_83 : i32 to vector<16xi32>
    %broadcast_in_dim3A_85 = arith.constant 3 : i32
    %broadcast_in_dim3A_86 = vector.broadcast %broadcast_in_dim3A_85 : i32 to vector<16xi32>
    %dma_start3A_87 = arith.constant 0 : i32
    %dma_start3A_88 = arith.constant 0 : i32
    %dma_start3A_89 = tpu.memref_slice %arg15[%dma_start3A_87, %dma_start3A_88] : memref<2x2000xi32, #tpu.memory_space<vmem>> -> memref<1x2000xi32, #tpu.memory_space<vmem>>
    %dma_start3A_90 = tpu.memref_squeeze %dma_start3A_89 : memref<1x2000xi32, #tpu.memory_space<vmem>> -> memref<2000xi32, #tpu.memory_space<vmem>>
    %dma_start3A_91 = arith.constant 0 : i32
    %dma_start3A_92 = tpu.memref_slice %arg2[%dma_start3A_91] : memref<320000xi32, #tpu.memory_space<hbm>> -> memref<2000xi32, #tpu.memory_space<hbm>>
    %dma_start3A_93 = arith.constant 0 : i32
    %dma_start3A_94 = tpu.memref_slice %arg15[%dma_start3A_87, %dma_start3A_93] : memref<2x2000xi32, #tpu.memory_space<vmem>> -> memref<1x2000xi32, #tpu.memory_space<vmem>>
    %dma_start3A_95 = tpu.memref_squeeze %dma_start3A_94 : memref<1x2000xi32, #tpu.memory_space<vmem>> -> memref<2000xi32, #tpu.memory_space<vmem>>
    %dma_start3A_96 = arith.constant 0 : i32
    %dma_start3A_97 = tpu.memref_slice %arg2[%dma_start3A_96] : memref<320000xi32, #tpu.memory_space<hbm>> -> memref<2000xi32, #tpu.memory_space<hbm>>
    tpu.enqueue_dma source(%dma_start3A_97 : memref<2000xi32, #tpu.memory_space<hbm>>) target(%dma_start3A_95 : memref<2000xi32, #tpu.memory_space<vmem>>) target_semaphore(%arg17 : memref<!tpu.dma_semaphore, #tpu.memory_space<semaphore_mem>>)
    %dma_start3A_98 = arith.constant 1 : i32
    %dma_start3A_99 = arith.constant 0 : i32
    %dma_start3A_100 = tpu.memref_slice %arg15[%dma_start3A_98, %dma_start3A_99] : memref<2x2000xi32, #tpu.memory_space<vmem>> -> memref<1x2000xi32, #tpu.memory_space<vmem>>
    %dma_start3A_101 = tpu.memref_squeeze %dma_start3A_100 : memref<1x2000xi32, #tpu.memory_space<vmem>> -> memref<2000xi32, #tpu.memory_space<vmem>>
    %dma_start3A_102 = arith.constant 2000 : i32
    %dma_start3A_103 = tpu.memref_slice %arg2[%dma_start3A_102] : memref<320000xi32, #tpu.memory_space<hbm>> -> memref<2000xi32, #tpu.memory_space<hbm>>
    %dma_start3A_104 = arith.constant 0 : i32
    %dma_start3A_105 = tpu.memref_slice %arg15[%dma_start3A_98, %dma_start3A_104] : memref<2x2000xi32, #tpu.memory_space<vmem>> -> memref<1x2000xi32, #tpu.memory_space<vmem>>
    %dma_start3A_106 = tpu.memref_squeeze %dma_start3A_105 : memref<1x2000xi32, #tpu.memory_space<vmem>> -> memref<2000xi32, #tpu.memory_space<vmem>>
    %dma_start3A_107 = arith.constant 2000 : i32
    %dma_start3A_108 = tpu.memref_slice %arg2[%dma_start3A_107] : memref<320000xi32, #tpu.memory_space<hbm>> -> memref<2000xi32, #tpu.memory_space<hbm>>
    tpu.enqueue_dma source(%dma_start3A_108 : memref<2000xi32, #tpu.memory_space<hbm>>) target(%dma_start3A_106 : memref<2000xi32, #tpu.memory_space<vmem>>) target_semaphore(%arg18 : memref<!tpu.dma_semaphore, #tpu.memory_space<semaphore_mem>>)
    %mul3A_109 = arith.constant 320000 : i32
    %mul3A_110 = arith.muli %arg0, %mul3A_109 : i32
    %add3A_111 = arith.constant 0 : i32
    %add3A_112 = arith.addi %mul3A_110, %add3A_111 : i32
    %dma_start3A_113 = arith.constant 0 : i32
    %dma_start3A_114 = arith.constant 0 : i32
    %dma_start3A_115 = tpu.memref_slice %arg16[%dma_start3A_113, %dma_start3A_114] : memref<2x2000xf32, #tpu.memory_space<vmem>> -> memref<1x2000xf32, #tpu.memory_space<vmem>>
    %dma_start3A_116 = tpu.memref_squeeze %dma_start3A_115 : memref<1x2000xf32, #tpu.memory_space<vmem>> -> memref<2000xf32, #tpu.memory_space<vmem>>
    %dma_start3A_117 = tpu.memref_slice %arg8[%add3A_112] : memref<640000xf32, #tpu.memory_space<hbm>> -> memref<2000xf32, #tpu.memory_space<hbm>>
    %dma_start3A_118 = arith.constant 0 : i32
    %dma_start3A_119 = tpu.memref_slice %arg16[%dma_start3A_113, %dma_start3A_118] : memref<2x2000xf32, #tpu.memory_space<vmem>> -> memref<1x2000xf32, #tpu.memory_space<vmem>>
    %dma_start3A_120 = tpu.memref_squeeze %dma_start3A_119 : memref<1x2000xf32, #tpu.memory_space<vmem>> -> memref<2000xf32, #tpu.memory_space<vmem>>
    %dma_start3A_121 = tpu.memref_slice %arg8[%add3A_112] : memref<640000xf32, #tpu.memory_space<hbm>> -> memref<2000xf32, #tpu.memory_space<hbm>>
    tpu.enqueue_dma source(%dma_start3A_121 : memref<2000xf32, #tpu.memory_space<hbm>>) target(%dma_start3A_120 : memref<2000xf32, #tpu.memory_space<vmem>>) target_semaphore(%arg19 : memref<!tpu.dma_semaphore, #tpu.memory_space<semaphore_mem>>)
    %mul3A_122 = arith.constant 320000 : i32
    %mul3A_123 = arith.muli %arg0, %mul3A_122 : i32
    %add3A_124 = arith.constant 2000 : i32
    %add3A_125 = arith.addi %mul3A_123, %add3A_124 : i32
    %dma_start3A_126 = arith.constant 1 : i32
    %dma_start3A_127 = arith.constant 0 : i32
    %dma_start3A_128 = tpu.memref_slice %arg16[%dma_start3A_126, %dma_start3A_127] : memref<2x2000xf32, #tpu.memory_space<vmem>> -> memref<1x2000xf32, #tpu.memory_space<vmem>>
    %dma_start3A_129 = tpu.memref_squeeze %dma_start3A_128 : memref<1x2000xf32, #tpu.memory_space<vmem>> -> memref<2000xf32, #tpu.memory_space<vmem>>
    %dma_start3A_130 = tpu.memref_slice %arg8[%add3A_125] : memref<640000xf32, #tpu.memory_space<hbm>> -> memref<2000xf32, #tpu.memory_space<hbm>>
    %dma_start3A_131 = arith.constant 0 : i32
    %dma_start3A_132 = tpu.memref_slice %arg16[%dma_start3A_126, %dma_start3A_131] : memref<2x2000xf32, #tpu.memory_space<vmem>> -> memref<1x2000xf32, #tpu.memory_space<vmem>>
    %dma_start3A_133 = tpu.memref_squeeze %dma_start3A_132 : memref<1x2000xf32, #tpu.memory_space<vmem>> -> memref<2000xf32, #tpu.memory_space<vmem>>
    %dma_start3A_134 = tpu.memref_slice %arg8[%add3A_125] : memref<640000xf32, #tpu.memory_space<hbm>> -> memref<2000xf32, #tpu.memory_space<hbm>>
    tpu.enqueue_dma source(%dma_start3A_134 : memref<2000xf32, #tpu.memory_space<hbm>>) target(%dma_start3A_133 : memref<2000xf32, #tpu.memory_space<vmem>>) target_semaphore(%arg20 : memref<!tpu.dma_semaphore, #tpu.memory_space<semaphore_mem>>)
    %scan3A_135 = arith.constant 0 : i32
    %scan3A_136 = arith.constant 0 : i32
    %scan3A_137 = arith.constant 1 : i32
    %scan3A_138 = arith.constant 1 : i32
    %scan3A_139 = arith.constant 0 : i32
    %scan3A_140 = arith.constant 0 : i32
    %scan3A_141 = arith.constant 80 : i32
    %scan3A_142 = arith.addi %scan3A_140, %scan3A_141 : i32
    %scan3A_143 = arith.constant 1 : i32
    %scan3A_144 = scf.for %scan3A_190 = %scan3A_140 to %scan3A_142 step %scan3A_143 iter_args(%scan3A_191 = %scan3A_139) -> (i32)  : i32 {
      %mul3A_192 = arith.constant 2 : i32
      %mul3A_193 = arith.muli %scan3A_190, %mul3A_192 : i32
      %add3A_194 = arith.constant 0 : i32
      %add3A_195 = arith.addi %mul3A_193, %add3A_194 : i32
      %mul3A_196 = arith.constant 2000 : i32
      %mul3A_197 = arith.muli %add3A_195, %mul3A_196 : i32
      %dma_wait3A_198 = arith.constant 0 : i32
      %dma_wait3A_199 = tpu.memref_slice %arg15[%scan3A_135, %dma_wait3A_198] : memref<2x2000xi32, #tpu.memory_space<vmem>> -> memref<1x2000xi32, #tpu.memory_space<vmem>>
      %dma_wait3A_200 = tpu.memref_squeeze %dma_wait3A_199 : memref<1x2000xi32, #tpu.memory_space<vmem>> -> memref<2000xi32, #tpu.memory_space<vmem>>
      %dma_wait3A_201 = tpu.memref_slice %arg2[%mul3A_197] : memref<320000xi32, #tpu.memory_space<hbm>> -> memref<2000xi32, #tpu.memory_space<hbm>>
      %dma_wait3A_202 = arith.constant 0 : i32
      %dma_wait3A_203 = tpu.memref_slice %arg15[%scan3A_135, %dma_wait3A_202] : memref<2x2000xi32, #tpu.memory_space<vmem>> -> memref<1x2000xi32, #tpu.memory_space<vmem>>
      %dma_wait3A_204 = tpu.memref_squeeze %dma_wait3A_203 : memref<1x2000xi32, #tpu.memory_space<vmem>> -> memref<2000xi32, #tpu.memory_space<vmem>>
      %dma_wait3A_205 = tpu.memref_slice %arg2[%mul3A_197] : memref<320000xi32, #tpu.memory_space<hbm>> -> memref<2000xi32, #tpu.memory_space<hbm>>
      tpu.wait_dma2 semaphore(%arg17 : memref<!tpu.dma_semaphore, #tpu.memory_space<semaphore_mem>>) src(%dma_wait3A_205 : memref<2000xi32, #tpu.memory_space<hbm>>) dst(%dma_wait3A_204 : memref<2000xi32, #tpu.memory_space<vmem>>)
      %mul3A_206 = arith.constant 320000 : i32
      %mul3A_207 = arith.muli %arg0, %mul3A_206 : i32
      %mul3A_208 = arith.constant 2000 : i32
      %mul3A_209 = arith.muli %add3A_195, %mul3A_208 : i32
      %add3A_210 = arith.addi %mul3A_207, %mul3A_209 : i32
      %dma_wait3A_211 = arith.constant 0 : i32
      %dma_wait3A_212 = tpu.memref_slice %arg16[%scan3A_136, %dma_wait3A_211] : memref<2x2000xf32, #tpu.memory_space<vmem>> -> memref<1x2000xf32, #tpu.memory_space<vmem>>
      %dma_wait3A_213 = tpu.memref_squeeze %dma_wait3A_212 : memref<1x2000xf32, #tpu.memory_space<vmem>> -> memref<2000xf32, #tpu.memory_space<vmem>>
      %dma_wait3A_214 = tpu.memref_slice %arg8[%add3A_210] : memref<640000xf32, #tpu.memory_space<hbm>> -> memref<2000xf32, #tpu.memory_space<hbm>>
      %dma_wait3A_215 = arith.constant 0 : i32
      %dma_wait3A_216 = tpu.memref_slice %arg16[%scan3A_136, %dma_wait3A_215] : memref<2x2000xf32, #tpu.memory_space<vmem>> -> memref<1x2000xf32, #tpu.memory_space<vmem>>
      %dma_wait3A_217 = tpu.memref_squeeze %dma_wait3A_216 : memref<1x2000xf32, #tpu.memory_space<vmem>> -> memref<2000xf32, #tpu.memory_space<vmem>>
      %dma_wait3A_218 = tpu.memref_slice %arg8[%add3A_210] : memref<640000xf32, #tpu.memory_space<hbm>> -> memref<2000xf32, #tpu.memory_space<hbm>>
      tpu.wait_dma2 semaphore(%arg19 : memref<!tpu.dma_semaphore, #tpu.memory_space<semaphore_mem>>) src(%dma_wait3A_218 : memref<2000xf32, #tpu.memory_space<hbm>>) dst(%dma_wait3A_217 : memref<2000xf32, #tpu.memory_space<vmem>>)
      %parallel_loop3A_219 = arith.constant 0 : i32
      %parallel_loop3A_220 = arith.constant 125 : i32
      %parallel_loop3A_221 = arith.constant 1 : i32
      scf.for %parallel_loop3A_264 = %parallel_loop3A_219 to %parallel_loop3A_220 step %parallel_loop3A_221  : i32 {
        %parallel_loop3A_265 = arith.constant 16 : i32
        %parallel_loop3A_266 = arith.muli %parallel_loop3A_264, %parallel_loop3A_265 : i32
        %parallel_loop3A_267 = arith.constant 0 : i32
        %parallel_loop3A_268 = tpu.memref_slice %arg15[%scan3A_135, %parallel_loop3A_267] : memref<2x2000xi32, #tpu.memory_space<vmem>> -> memref<1x2000xi32, #tpu.memory_space<vmem>>
        %parallel_loop3A_269 = tpu.memref_squeeze %parallel_loop3A_268 : memref<1x2000xi32, #tpu.memory_space<vmem>> -> memref<2000xi32, #tpu.memory_space<vmem>>
        %parallel_loop3A_270 = arith.index_cast %parallel_loop3A_266 : i32 to index
        %parallel_loop3A_271 = tpu.vector_load %parallel_loop3A_269[%parallel_loop3A_270] {strides = array<i32>} : memref<2000xi32, #tpu.memory_space<vmem>>, vector<16xi32>,
        %parallel_loop3A_272 = arith.constant 0 : i32
        %parallel_loop3A_273 = tpu.memref_slice %arg16[%scan3A_136, %parallel_loop3A_272] : memref<2x2000xf32, #tpu.memory_space<vmem>> -> memref<1x2000xf32, #tpu.memory_space<vmem>>
        %parallel_loop3A_274 = tpu.memref_squeeze %parallel_loop3A_273 : memref<1x2000xf32, #tpu.memory_space<vmem>> -> memref<2000xf32, #tpu.memory_space<vmem>>
        %parallel_loop3A_275 = arith.index_cast %parallel_loop3A_266 : i32 to index
        %parallel_loop3A_276 = tpu.vector_load %parallel_loop3A_274[%parallel_loop3A_275] {strides = array<i32>} : memref<2000xf32, #tpu.memory_space<vmem>>, vector<16xf32>,
        %parallel_loop3A_277 = arith.constant 14 : i32
        %parallel_loop3A_278 = vector.broadcast %parallel_loop3A_277 : i32 to vector<16xi32>
        %parallel_loop3A_279 = arith.shrui %parallel_loop3A_271, %parallel_loop3A_278 : vector<16xi32>
        %parallel_loop3A_280 = arith.constant 16383 : i32
        %parallel_loop3A_281 = vector.broadcast %parallel_loop3A_280 : i32 to vector<16xi32>
        %parallel_loop3A_282 = arith.andi %parallel_loop3A_271, %parallel_loop3A_281 : vector<16xi32>
        tpu.vector_store_idx %arg13[%parallel_loop3A_279], %parallel_loop3A_276 {add = true} : memref<10000xf32, #tpu.memory_space<vmem>>[vector<16xi32>], vector<16xf32>,
        %parallel_loop3A_283 = tpu.vector_load_idx %arg11[%broadcast_in_dim3A_80, %parallel_loop3A_282] : memref<2x10000xi32, #tpu.memory_space<vmem>>[vector<16xi32>, vector<16xi32>], vector<16xi32>,
        %parallel_loop3A_284 = arith.constant 16 : i32
        %parallel_loop3A_285 = vector.broadcast %parallel_loop3A_284 : i32 to vector<16xi32>
        %parallel_loop3A_286 = arith.shli %parallel_loop3A_283, %parallel_loop3A_285 : vector<16xi32>
        %parallel_loop3A_287 = vector.bitcast %parallel_loop3A_286 : vector<16xi32> to vector<16xf32>
        %parallel_loop3A_288 = arith.constant -65536 : i32
        %parallel_loop3A_289 = vector.broadcast %parallel_loop3A_288 : i32 to vector<16xi32>
        %parallel_loop3A_290 = arith.andi %parallel_loop3A_283, %parallel_loop3A_289 : vector<16xi32>
        %parallel_loop3A_291 = vector.bitcast %parallel_loop3A_290 : vector<16xi32> to vector<16xf32>
        %parallel_loop3A_292 = arith.mulf %parallel_loop3A_276, %parallel_loop3A_287 : vector<16xf32>
        tpu.vector_store_idx %arg12[%broadcast_in_dim3A_80, %parallel_loop3A_279], %parallel_loop3A_292 {add = true} : memref<4x10000xf32, #tpu.memory_space<vmem>>[vector<16xi32>, vector<16xi32>], vector<16xf32>,
        %parallel_loop3A_293 = arith.mulf %parallel_loop3A_276, %parallel_loop3A_291 : vector<16xf32>
        tpu.vector_store_idx %arg12[%broadcast_in_dim3A_82, %parallel_loop3A_279], %parallel_loop3A_293 {add = true} : memref<4x10000xf32, #tpu.memory_space<vmem>>[vector<16xi32>, vector<16xi32>], vector<16xf32>,
        %parallel_loop3A_294 = tpu.vector_load_idx %arg11[%broadcast_in_dim3A_82, %parallel_loop3A_282] : memref<2x10000xi32, #tpu.memory_space<vmem>>[vector<16xi32>, vector<16xi32>], vector<16xi32>,
        %parallel_loop3A_295 = arith.constant 16 : i32
        %parallel_loop3A_296 = vector.broadcast %parallel_loop3A_295 : i32 to vector<16xi32>
        %parallel_loop3A_297 = arith.shli %parallel_loop3A_294, %parallel_loop3A_296 : vector<16xi32>
        %parallel_loop3A_298 = vector.bitcast %parallel_loop3A_297 : vector<16xi32> to vector<16xf32>
        %parallel_loop3A_299 = arith.constant -65536 : i32
        %parallel_loop3A_300 = vector.broadcast %parallel_loop3A_299 : i32 to vector<16xi32>
        %parallel_loop3A_301 = arith.andi %parallel_loop3A_294, %parallel_loop3A_300 : vector<16xi32>
        %parallel_loop3A_302 = vector.bitcast %parallel_loop3A_301 : vector<16xi32> to vector<16xf32>
        %parallel_loop3A_303 = arith.mulf %parallel_loop3A_276, %parallel_loop3A_298 : vector<16xf32>
        tpu.vector_store_idx %arg12[%broadcast_in_dim3A_84, %parallel_loop3A_279], %parallel_loop3A_303 {add = true} : memref<4x10000xf32, #tpu.memory_space<vmem>>[vector<16xi32>, vector<16xi32>], vector<16xf32>,
        %parallel_loop3A_304 = arith.mulf %parallel_loop3A_276, %parallel_loop3A_302 : vector<16xf32>
        tpu.vector_store_idx %arg12[%broadcast_in_dim3A_86, %parallel_loop3A_279], %parallel_loop3A_304 {add = true} : memref<4x10000xf32, #tpu.memory_space<vmem>>[vector<16xi32>, vector<16xi32>], vector<16xf32>,
      } {sc.loop_unroll_factor = 5 : i64, sc.parallel_access}
      %add3A_222 = arith.constant 2 : i32
      %add3A_223 = arith.addi %add3A_195, %add3A_222 : i32
      %lt3A = arith.constant 160 : i32
      %lt3A_224 = arith.cmpi slt, %add3A_223, %lt3A : i32
      %convert_element_type3A = arith.extui %lt3A_224 : i1 to i32
      %cond3A = arith.constant 0 : i32
      %cond3A_225 = arith.cmpi ne, %convert_element_type3A, %cond3A : i32
      scf.if %cond3A_225 {
        %add3A_264 = arith.constant 2 : i32
        %add3A_265 = arith.addi %add3A_195, %add3A_264 : i32
        %mul3A_266 = arith.constant 2000 : i32
        %mul3A_267 = arith.muli %add3A_265, %mul3A_266 : i32
        %dma_start3A_268 = arith.constant 0 : i32
        %dma_start3A_269 = tpu.memref_slice %arg15[%scan3A_135, %dma_start3A_268] : memref<2x2000xi32, #tpu.memory_space<vmem>> -> memref<1x2000xi32, #tpu.memory_space<vmem>>
        %dma_start3A_270 = tpu.memref_squeeze %dma_start3A_269 : memref<1x2000xi32, #tpu.memory_space<vmem>> -> memref<2000xi32, #tpu.memory_space<vmem>>
        %dma_start3A_271 = tpu.memref_slice %arg2[%mul3A_267] : memref<320000xi32, #tpu.memory_space<hbm>> -> memref<2000xi32, #tpu.memory_space<hbm>>
        %dma_start3A_272 = arith.constant 0 : i32
        %dma_start3A_273 = tpu.memref_slice %arg15[%scan3A_135, %dma_start3A_272] : memref<2x2000xi32, #tpu.memory_space<vmem>> -> memref<1x2000xi32, #tpu.memory_space<vmem>>
        %dma_start3A_274 = tpu.memref_squeeze %dma_start3A_273 : memref<1x2000xi32, #tpu.memory_space<vmem>> -> memref<2000xi32, #tpu.memory_space<vmem>>
        %dma_start3A_275 = tpu.memref_slice %arg2[%mul3A_267] : memref<320000xi32, #tpu.memory_space<hbm>> -> memref<2000xi32, #tpu.memory_space<hbm>>
        tpu.enqueue_dma source(%dma_start3A_275 : memref<2000xi32, #tpu.memory_space<hbm>>) target(%dma_start3A_274 : memref<2000xi32, #tpu.memory_space<vmem>>) target_semaphore(%arg17 : memref<!tpu.dma_semaphore, #tpu.memory_space<semaphore_mem>>)
        %add3A_276 = arith.constant 2 : i32
        %add3A_277 = arith.addi %add3A_195, %add3A_276 : i32
        %mul3A_278 = arith.constant 320000 : i32
        %mul3A_279 = arith.muli %arg0, %mul3A_278 : i32
        %mul3A_280 = arith.constant 2000 : i32
        %mul3A_281 = arith.muli %add3A_277, %mul3A_280 : i32
        %add3A_282 = arith.addi %mul3A_279, %mul3A_281 : i32
        %dma_start3A_283 = arith.constant 0 : i32
        %dma_start3A_284 = tpu.memref_slice %arg16[%scan3A_136, %dma_start3A_283] : memref<2x2000xf32, #tpu.memory_space<vmem>> -> memref<1x2000xf32, #tpu.memory_space<vmem>>
        %dma_start3A_285 = tpu.memref_squeeze %dma_start3A_284 : memref<1x2000xf32, #tpu.memory_space<vmem>> -> memref<2000xf32, #tpu.memory_space<vmem>>
        %dma_start3A_286 = tpu.memref_slice %arg8[%add3A_282] : memref<640000xf32, #tpu.memory_space<hbm>> -> memref<2000xf32, #tpu.memory_space<hbm>>
        %dma_start3A_287 = arith.constant 0 : i32
        %dma_start3A_288 = tpu.memref_slice %arg16[%scan3A_136, %dma_start3A_287] : memref<2x2000xf32, #tpu.memory_space<vmem>> -> memref<1x2000xf32, #tpu.memory_space<vmem>>
        %dma_start3A_289 = tpu.memref_squeeze %dma_start3A_288 : memref<1x2000xf32, #tpu.memory_space<vmem>> -> memref<2000xf32, #tpu.memory_space<vmem>>
        %dma_start3A_290 = tpu.memref_slice %arg8[%add3A_282] : memref<640000xf32, #tpu.memory_space<hbm>> -> memref<2000xf32, #tpu.memory_space<hbm>>
        tpu.enqueue_dma source(%dma_start3A_290 : memref<2000xf32, #tpu.memory_space<hbm>>) target(%dma_start3A_289 : memref<2000xf32, #tpu.memory_space<vmem>>) target_semaphore(%arg19 : memref<!tpu.dma_semaphore, #tpu.memory_space<semaphore_mem>>)
      } else {
      }
      %mul3A_226 = arith.constant 2 : i32
      %mul3A_227 = arith.muli %scan3A_190, %mul3A_226 : i32
      %add3A_228 = arith.constant 1 : i32
      %add3A_229 = arith.addi %mul3A_227, %add3A_228 : i32
      %mul3A_230 = arith.constant 2000 : i32
      %mul3A_231 = arith.muli %add3A_229, %mul3A_230 : i32
      %dma_wait3A_232 = arith.constant 0 : i32
      %dma_wait3A_233 = tpu.memref_slice %arg15[%scan3A_137, %dma_wait3A_232] : memref<2x2000xi32, #tpu.memory_space<vmem>> -> memref<1x2000xi32, #tpu.memory_space<vmem>>
      %dma_wait3A_234 = tpu.memref_squeeze %dma_wait3A_233 : memref<1x2000xi32, #tpu.memory_space<vmem>> -> memref<2000xi32, #tpu.memory_space<vmem>>
      %dma_wait3A_235 = tpu.memref_slice %arg2[%mul3A_231] : memref<320000xi32, #tpu.memory_space<hbm>> -> memref<2000xi32, #tpu.memory_space<hbm>>
      %dma_wait3A_236 = arith.constant 0 : i32
      %dma_wait3A_237 = tpu.memref_slice %arg15[%scan3A_137, %dma_wait3A_236] : memref<2x2000xi32, #tpu.memory_space<vmem>> -> memref<1x2000xi32, #tpu.memory_space<vmem>>
      %dma_wait3A_238 = tpu.memref_squeeze %dma_wait3A_237 : memref<1x2000xi32, #tpu.memory_space<vmem>> -> memref<2000xi32, #tpu.memory_space<vmem>>
      %dma_wait3A_239 = tpu.memref_slice %arg2[%mul3A_231] : memref<320000xi32, #tpu.memory_space<hbm>> -> memref<2000xi32, #tpu.memory_space<hbm>>
      tpu.wait_dma2 semaphore(%arg18 : memref<!tpu.dma_semaphore, #tpu.memory_space<semaphore_mem>>) src(%dma_wait3A_239 : memref<2000xi32, #tpu.memory_space<hbm>>) dst(%dma_wait3A_238 : memref<2000xi32, #tpu.memory_space<vmem>>)
      %mul3A_240 = arith.constant 320000 : i32
      %mul3A_241 = arith.muli %arg0, %mul3A_240 : i32
      %mul3A_242 = arith.constant 2000 : i32
      %mul3A_243 = arith.muli %add3A_229, %mul3A_242 : i32
      %add3A_244 = arith.addi %mul3A_241, %mul3A_243 : i32
      %dma_wait3A_245 = arith.constant 0 : i32
      %dma_wait3A_246 = tpu.memref_slice %arg16[%scan3A_138, %dma_wait3A_245] : memref<2x2000xf32, #tpu.memory_space<vmem>> -> memref<1x2000xf32, #tpu.memory_space<vmem>>
      %dma_wait3A_247 = tpu.memref_squeeze %dma_wait3A_246 : memref<1x2000xf32, #tpu.memory_space<vmem>> -> memref<2000xf32, #tpu.memory_space<vmem>>
      %dma_wait3A_248 = tpu.memref_slice %arg8[%add3A_244] : memref<640000xf32, #tpu.memory_space<hbm>> -> memref<2000xf32, #tpu.memory_space<hbm>>
      %dma_wait3A_249 = arith.constant 0 : i32
      %dma_wait3A_250 = tpu.memref_slice %arg16[%scan3A_138, %dma_wait3A_249] : memref<2x2000xf32, #tpu.memory_space<vmem>> -> memref<1x2000xf32, #tpu.memory_space<vmem>>
      %dma_wait3A_251 = tpu.memref_squeeze %dma_wait3A_250 : memref<1x2000xf32, #tpu.memory_space<vmem>> -> memref<2000xf32, #tpu.memory_space<vmem>>
      %dma_wait3A_252 = tpu.memref_slice %arg8[%add3A_244] : memref<640000xf32, #tpu.memory_space<hbm>> -> memref<2000xf32, #tpu.memory_space<hbm>>
      tpu.wait_dma2 semaphore(%arg20 : memref<!tpu.dma_semaphore, #tpu.memory_space<semaphore_mem>>) src(%dma_wait3A_252 : memref<2000xf32, #tpu.memory_space<hbm>>) dst(%dma_wait3A_251 : memref<2000xf32, #tpu.memory_space<vmem>>)
      %parallel_loop3A_253 = arith.constant 0 : i32
      %parallel_loop3A_254 = arith.constant 125 : i32
      %parallel_loop3A_255 = arith.constant 1 : i32
      scf.for %parallel_loop3A_264 = %parallel_loop3A_253 to %parallel_loop3A_254 step %parallel_loop3A_255  : i32 {
        %parallel_loop3A_265 = arith.constant 16 : i32
        %parallel_loop3A_266 = arith.muli %parallel_loop3A_264, %parallel_loop3A_265 : i32
        %parallel_loop3A_267 = arith.constant 0 : i32
        %parallel_loop3A_268 = tpu.memref_slice %arg15[%scan3A_137, %parallel_loop3A_267] : memref<2x2000xi32, #tpu.memory_space<vmem>> -> memref<1x2000xi32, #tpu.memory_space<vmem>>
        %parallel_loop3A_269 = tpu.memref_squeeze %parallel_loop3A_268 : memref<1x2000xi32, #tpu.memory_space<vmem>> -> memref<2000xi32, #tpu.memory_space<vmem>>
        %parallel_loop3A_270 = arith.index_cast %parallel_loop3A_266 : i32 to index
        %parallel_loop3A_271 = tpu.vector_load %parallel_loop3A_269[%parallel_loop3A_270] {strides = array<i32>} : memref<2000xi32, #tpu.memory_space<vmem>>, vector<16xi32>,
        %parallel_loop3A_272 = arith.constant 0 : i32
        %parallel_loop3A_273 = tpu.memref_slice %arg16[%scan3A_138, %parallel_loop3A_272] : memref<2x2000xf32, #tpu.memory_space<vmem>> -> memref<1x2000xf32, #tpu.memory_space<vmem>>
        %parallel_loop3A_274 = tpu.memref_squeeze %parallel_loop3A_273 : memref<1x2000xf32, #tpu.memory_space<vmem>> -> memref<2000xf32, #tpu.memory_space<vmem>>
        %parallel_loop3A_275 = arith.index_cast %parallel_loop3A_266 : i32 to index
        %parallel_loop3A_276 = tpu.vector_load %parallel_loop3A_274[%parallel_loop3A_275] {strides = array<i32>} : memref<2000xf32, #tpu.memory_space<vmem>>, vector<16xf32>,
        %parallel_loop3A_277 = arith.constant 14 : i32
        %parallel_loop3A_278 = vector.broadcast %parallel_loop3A_277 : i32 to vector<16xi32>
        %parallel_loop3A_279 = arith.shrui %parallel_loop3A_271, %parallel_loop3A_278 : vector<16xi32>
        %parallel_loop3A_280 = arith.constant 16383 : i32
        %parallel_loop3A_281 = vector.broadcast %parallel_loop3A_280 : i32 to vector<16xi32>
        %parallel_loop3A_282 = arith.andi %parallel_loop3A_271, %parallel_loop3A_281 : vector<16xi32>
        tpu.vector_store_idx %arg13[%parallel_loop3A_279], %parallel_loop3A_276 {add = true} : memref<10000xf32, #tpu.memory_space<vmem>>[vector<16xi32>], vector<16xf32>,
        %parallel_loop3A_283 = tpu.vector_load_idx %arg11[%broadcast_in_dim3A_80, %parallel_loop3A_282] : memref<2x10000xi32, #tpu.memory_space<vmem>>[vector<16xi32>, vector<16xi32>], vector<16xi32>,
        %parallel_loop3A_284 = arith.constant 16 : i32
        %parallel_loop3A_285 = vector.broadcast %parallel_loop3A_284 : i32 to vector<16xi32>
        %parallel_loop3A_286 = arith.shli %parallel_loop3A_283, %parallel_loop3A_285 : vector<16xi32>
        %parallel_loop3A_287 = vector.bitcast %parallel_loop3A_286 : vector<16xi32> to vector<16xf32>
        %parallel_loop3A_288 = arith.constant -65536 : i32
        %parallel_loop3A_289 = vector.broadcast %parallel_loop3A_288 : i32 to vector<16xi32>
        %parallel_loop3A_290 = arith.andi %parallel_loop3A_283, %parallel_loop3A_289 : vector<16xi32>
        %parallel_loop3A_291 = vector.bitcast %parallel_loop3A_290 : vector<16xi32> to vector<16xf32>
        %parallel_loop3A_292 = arith.mulf %parallel_loop3A_276, %parallel_loop3A_287 : vector<16xf32>
        tpu.vector_store_idx %arg12[%broadcast_in_dim3A_80, %parallel_loop3A_279], %parallel_loop3A_292 {add = true} : memref<4x10000xf32, #tpu.memory_space<vmem>>[vector<16xi32>, vector<16xi32>], vector<16xf32>,
        %parallel_loop3A_293 = arith.mulf %parallel_loop3A_276, %parallel_loop3A_291 : vector<16xf32>
        tpu.vector_store_idx %arg12[%broadcast_in_dim3A_82, %parallel_loop3A_279], %parallel_loop3A_293 {add = true} : memref<4x10000xf32, #tpu.memory_space<vmem>>[vector<16xi32>, vector<16xi32>], vector<16xf32>,
        %parallel_loop3A_294 = tpu.vector_load_idx %arg11[%broadcast_in_dim3A_82, %parallel_loop3A_282] : memref<2x10000xi32, #tpu.memory_space<vmem>>[vector<16xi32>, vector<16xi32>], vector<16xi32>,
        %parallel_loop3A_295 = arith.constant 16 : i32
        %parallel_loop3A_296 = vector.broadcast %parallel_loop3A_295 : i32 to vector<16xi32>
        %parallel_loop3A_297 = arith.shli %parallel_loop3A_294, %parallel_loop3A_296 : vector<16xi32>
        %parallel_loop3A_298 = vector.bitcast %parallel_loop3A_297 : vector<16xi32> to vector<16xf32>
        %parallel_loop3A_299 = arith.constant -65536 : i32
        %parallel_loop3A_300 = vector.broadcast %parallel_loop3A_299 : i32 to vector<16xi32>
        %parallel_loop3A_301 = arith.andi %parallel_loop3A_294, %parallel_loop3A_300 : vector<16xi32>
        %parallel_loop3A_302 = vector.bitcast %parallel_loop3A_301 : vector<16xi32> to vector<16xf32>
        %parallel_loop3A_303 = arith.mulf %parallel_loop3A_276, %parallel_loop3A_298 : vector<16xf32>
        tpu.vector_store_idx %arg12[%broadcast_in_dim3A_84, %parallel_loop3A_279], %parallel_loop3A_303 {add = true} : memref<4x10000xf32, #tpu.memory_space<vmem>>[vector<16xi32>, vector<16xi32>], vector<16xf32>,
        %parallel_loop3A_304 = arith.mulf %parallel_loop3A_276, %parallel_loop3A_302 : vector<16xf32>
        tpu.vector_store_idx %arg12[%broadcast_in_dim3A_86, %parallel_loop3A_279], %parallel_loop3A_304 {add = true} : memref<4x10000xf32, #tpu.memory_space<vmem>>[vector<16xi32>, vector<16xi32>], vector<16xf32>,
      } {sc.loop_unroll_factor = 5 : i64, sc.parallel_access}
      %add3A_256 = arith.constant 2 : i32
      %add3A_257 = arith.addi %add3A_229, %add3A_256 : i32
      %lt3A_258 = arith.constant 160 : i32
      %lt3A_259 = arith.cmpi slt, %add3A_257, %lt3A_258 : i32
      %convert_element_type3A_260 = arith.extui %lt3A_259 : i1 to i32
      %cond3A_261 = arith.constant 0 : i32
      %cond3A_262 = arith.cmpi ne, %convert_element_type3A_260, %cond3A_261 : i32
      scf.if %cond3A_262 {
        %add3A_264 = arith.constant 2 : i32
        %add3A_265 = arith.addi %add3A_229, %add3A_264 : i32
        %mul3A_266 = arith.constant 2000 : i32
        %mul3A_267 = arith.muli %add3A_265, %mul3A_266 : i32
        %dma_start3A_268 = arith.constant 0 : i32
        %dma_start3A_269 = tpu.memref_slice %arg15[%scan3A_137, %dma_start3A_268] : memref<2x2000xi32, #tpu.memory_space<vmem>> -> memref<1x2000xi32, #tpu.memory_space<vmem>>
        %dma_start3A_270 = tpu.memref_squeeze %dma_start3A_269 : memref<1x2000xi32, #tpu.memory_space<vmem>> -> memref<2000xi32, #tpu.memory_space<vmem>>
        %dma_start3A_271 = tpu.memref_slice %arg2[%mul3A_267] : memref<320000xi32, #tpu.memory_space<hbm>> -> memref<2000xi32, #tpu.memory_space<hbm>>
        %dma_start3A_272 = arith.constant 0 : i32
        %dma_start3A_273 = tpu.memref_slice %arg15[%scan3A_137, %dma_start3A_272] : memref<2x2000xi32, #tpu.memory_space<vmem>> -> memref<1x2000xi32, #tpu.memory_space<vmem>>
        %dma_start3A_274 = tpu.memref_squeeze %dma_start3A_273 : memref<1x2000xi32, #tpu.memory_space<vmem>> -> memref<2000xi32, #tpu.memory_space<vmem>>
        %dma_start3A_275 = tpu.memref_slice %arg2[%mul3A_267] : memref<320000xi32, #tpu.memory_space<hbm>> -> memref<2000xi32, #tpu.memory_space<hbm>>
        tpu.enqueue_dma source(%dma_start3A_275 : memref<2000xi32, #tpu.memory_space<hbm>>) target(%dma_start3A_274 : memref<2000xi32, #tpu.memory_space<vmem>>) target_semaphore(%arg18 : memref<!tpu.dma_semaphore, #tpu.memory_space<semaphore_mem>>)
        %add3A_276 = arith.constant 2 : i32
        %add3A_277 = arith.addi %add3A_229, %add3A_276 : i32
        %mul3A_278 = arith.constant 320000 : i32
        %mul3A_279 = arith.muli %arg0, %mul3A_278 : i32
        %mul3A_280 = arith.constant 2000 : i32
        %mul3A_281 = arith.muli %add3A_277, %mul3A_280 : i32
        %add3A_282 = arith.addi %mul3A_279, %mul3A_281 : i32
        %dma_start3A_283 = arith.constant 0 : i32
        %dma_start3A_284 = tpu.memref_slice %arg16[%scan3A_138, %dma_start3A_283] : memref<2x2000xf32, #tpu.memory_space<vmem>> -> memref<1x2000xf32, #tpu.memory_space<vmem>>
        %dma_start3A_285 = tpu.memref_squeeze %dma_start3A_284 : memref<1x2000xf32, #tpu.memory_space<vmem>> -> memref<2000xf32, #tpu.memory_space<vmem>>
        %dma_start3A_286 = tpu.memref_slice %arg8[%add3A_282] : memref<640000xf32, #tpu.memory_space<hbm>> -> memref<2000xf32, #tpu.memory_space<hbm>>
        %dma_start3A_287 = arith.constant 0 : i32
        %dma_start3A_288 = tpu.memref_slice %arg16[%scan3A_138, %dma_start3A_287] : memref<2x2000xf32, #tpu.memory_space<vmem>> -> memref<1x2000xf32, #tpu.memory_space<vmem>>
        %dma_start3A_289 = tpu.memref_squeeze %dma_start3A_288 : memref<1x2000xf32, #tpu.memory_space<vmem>> -> memref<2000xf32, #tpu.memory_space<vmem>>
        %dma_start3A_290 = tpu.memref_slice %arg8[%add3A_282] : memref<640000xf32, #tpu.memory_space<hbm>> -> memref<2000xf32, #tpu.memory_space<hbm>>
        tpu.enqueue_dma source(%dma_start3A_290 : memref<2000xf32, #tpu.memory_space<hbm>>) target(%dma_start3A_289 : memref<2000xf32, #tpu.memory_space<vmem>>) target_semaphore(%arg20 : memref<!tpu.dma_semaphore, #tpu.memory_space<semaphore_mem>>)
      } else {
      }
      %scan3A_263 = arith.constant 0 : i32
      scf.yield %scan3A_263 : i32
    }
    %scan3A_145 = arith.constant 80 : i32
    %broadcast_in_dim3A_146 = arith.constant 1 : i32
    %broadcast_in_dim3A_147 = vector.broadcast %broadcast_in_dim3A_146 : i32 to vector<16xi32>
    %mul3A_148 = arith.constant 2 : i32
    %mul3A_149 = arith.muli %mul3A_148, %add3A : i32
    %mul3A_150 = arith.constant 2 : i32
    %mul3A_151 = arith.muli %mul3A_150, %add3A : i32
    %add3A_152 = arith.constant 64 : i32
    %add3A_153 = arith.addi %add3A_152, %mul3A_151 : i32
    %mul3A_154 = arith.constant 2 : i32
    %mul3A_155 = arith.muli %mul3A_154, %add3A : i32
    %add3A_156 = arith.constant 1 : i32
    %add3A_157 = arith.addi %mul3A_155, %add3A_156 : i32
    %mul3A_158 = arith.constant 2 : i32
    %mul3A_159 = arith.muli %mul3A_158, %add3A : i32
    %add3A_160 = arith.constant 64 : i32
    %add3A_161 = arith.addi %add3A_160, %mul3A_159 : i32
    %add3A_162 = arith.constant 1 : i32
    %add3A_163 = arith.addi %add3A_161, %add3A_162 : i32
    %mul3A_164 = vector.broadcast %mul3A_149 : i32 to vector<16xi32>
    %mul3A_165 = arith.muli %broadcast_in_dim3A_147, %mul3A_164 : vector<16xi32>
    %gather3A = tpu.vector_load_idx %arg14[%mul3A_165] : memref<128xf32, #tpu.memory_space<vmem>>[vector<16xi32>], vector<16xf32>,
    %mul3A_166 = vector.broadcast %add3A_153 : i32 to vector<16xi32>
    %mul3A_167 = arith.muli %broadcast_in_dim3A_147, %mul3A_166 : vector<16xi32>
    %gather3A_168 = tpu.vector_load_idx %arg14[%mul3A_167] : memref<128xf32, #tpu.memory_space<vmem>>[vector<16xi32>], vector<16xf32>,
    %mul3A_169 = vector.broadcast %add3A_157 : i32 to vector<16xi32>
    %mul3A_170 = arith.muli %broadcast_in_dim3A_147, %mul3A_169 : vector<16xi32>
    %gather3A_171 = tpu.vector_load_idx %arg14[%mul3A_170] : memref<128xf32, #tpu.memory_space<vmem>>[vector<16xi32>], vector<16xf32>,
    %mul3A_172 = vector.broadcast %add3A_163 : i32 to vector<16xi32>
    %mul3A_173 = arith.muli %broadcast_in_dim3A_147, %mul3A_172 : vector<16xi32>
    %gather3A_174 = tpu.vector_load_idx %arg14[%mul3A_173] : memref<128xf32, #tpu.memory_space<vmem>>[vector<16xi32>], vector<16xf32>,
    %parallel_loop3A_175 = arith.constant 0 : i32
    %parallel_loop3A_176 = arith.constant 625 : i32
    %parallel_loop3A_177 = arith.constant 1 : i32
    scf.for %parallel_loop3A_190 = %parallel_loop3A_175 to %parallel_loop3A_176 step %parallel_loop3A_177  : i32 {
      %parallel_loop3A_191 = arith.constant 16 : i32
      %parallel_loop3A_192 = arith.muli %parallel_loop3A_190, %parallel_loop3A_191 : i32
      %parallel_loop3A_193 = arith.index_cast %parallel_loop3A_192 : i32 to index
      %parallel_loop3A_194 = tpu.vector_load %arg13[%parallel_loop3A_193] {strides = array<i32>} : memref<10000xf32, #tpu.memory_space<vmem>>, vector<16xf32>,
      %parallel_loop3A_195 = arith.constant 0.000000e+00 : f32
      %parallel_loop3A_196 = vector.broadcast %parallel_loop3A_195 : f32 to vector<16xf32>
      %parallel_loop3A_197 = arith.cmpf ogt, %parallel_loop3A_194, %parallel_loop3A_196 : vector<16xf32>
      %parallel_loop3A_198 = arith.constant 1.000000e+00 : f32
      %parallel_loop3A_199 = vector.broadcast %parallel_loop3A_198 : f32 to vector<16xf32>
      %parallel_loop3A_200 = arith.divf %parallel_loop3A_199, %parallel_loop3A_194 : vector<16xf32>
      %parallel_loop3A_201 = arith.constant 0.000000e+00 : f32
      %parallel_loop3A_202 = vector.broadcast %parallel_loop3A_201 : f32 to vector<16xf32>
      %parallel_loop3A_203 = arith.select %parallel_loop3A_197, %parallel_loop3A_200, %parallel_loop3A_202 : vector<16xi1>, vector<16xf32>
      %parallel_loop3A_204 = arith.constant 0 : i32
      %parallel_loop3A_205 = arith.index_cast %parallel_loop3A_204 : i32 to index
      %parallel_loop3A_206 = arith.index_cast %parallel_loop3A_192 : i32 to index
      %parallel_loop3A_207 = tpu.vector_load %arg12[%parallel_loop3A_205, %parallel_loop3A_206] {strides = array<i32>} : memref<4x10000xf32, #tpu.memory_space<vmem>>, vector<16xf32>,
      %parallel_loop3A_208 = arith.mulf %parallel_loop3A_207, %parallel_loop3A_203 : vector<16xf32>
      %parallel_loop3A_209 = arith.addf %parallel_loop3A_208, %gather3A : vector<16xf32>
      %parallel_loop3A_210 = arith.constant 0 : i32
      %parallel_loop3A_211 = arith.index_cast %parallel_loop3A_210 : i32 to index
      %parallel_loop3A_212 = arith.index_cast %parallel_loop3A_192 : i32 to index
      %parallel_loop3A_213 = tpu.vector_load %arg12[%parallel_loop3A_211, %parallel_loop3A_212] {strides = array<i32>} : memref<4x10000xf32, #tpu.memory_space<vmem>>, vector<16xf32>,
      tpu.vector_store %arg12[%parallel_loop3A_211, %parallel_loop3A_212], %parallel_loop3A_209 {strides = array<i32>} : memref<4x10000xf32, #tpu.memory_space<vmem>>, vector<16xf32>,
      %parallel_loop3A_214 = arith.constant 1 : i32
      %parallel_loop3A_215 = arith.index_cast %parallel_loop3A_214 : i32 to index
      %parallel_loop3A_216 = arith.index_cast %parallel_loop3A_192 : i32 to index
      %parallel_loop3A_217 = tpu.vector_load %arg12[%parallel_loop3A_215, %parallel_loop3A_216] {strides = array<i32>} : memref<4x10000xf32, #tpu.memory_space<vmem>>, vector<16xf32>,
      %parallel_loop3A_218 = arith.mulf %parallel_loop3A_217, %parallel_loop3A_203 : vector<16xf32>
      %parallel_loop3A_219 = arith.addf %parallel_loop3A_218, %gather3A_168 : vector<16xf32>
      %parallel_loop3A_220 = arith.constant 1 : i32
      %parallel_loop3A_221 = arith.index_cast %parallel_loop3A_220 : i32 to index
      %parallel_loop3A_222 = arith.index_cast %parallel_loop3A_192 : i32 to index
      %parallel_loop3A_223 = tpu.vector_load %arg12[%parallel_loop3A_221, %parallel_loop3A_222] {strides = array<i32>} : memref<4x10000xf32, #tpu.memory_space<vmem>>, vector<16xf32>,
      tpu.vector_store %arg12[%parallel_loop3A_221, %parallel_loop3A_222], %parallel_loop3A_219 {strides = array<i32>} : memref<4x10000xf32, #tpu.memory_space<vmem>>, vector<16xf32>,
      %parallel_loop3A_224 = arith.constant 2 : i32
      %parallel_loop3A_225 = arith.index_cast %parallel_loop3A_224 : i32 to index
      %parallel_loop3A_226 = arith.index_cast %parallel_loop3A_192 : i32 to index
      %parallel_loop3A_227 = tpu.vector_load %arg12[%parallel_loop3A_225, %parallel_loop3A_226] {strides = array<i32>} : memref<4x10000xf32, #tpu.memory_space<vmem>>, vector<16xf32>,
      %parallel_loop3A_228 = arith.mulf %parallel_loop3A_227, %parallel_loop3A_203 : vector<16xf32>
      %parallel_loop3A_229 = arith.addf %parallel_loop3A_228, %gather3A_171 : vector<16xf32>
      %parallel_loop3A_230 = arith.constant 2 : i32
      %parallel_loop3A_231 = arith.index_cast %parallel_loop3A_230 : i32 to index
      %parallel_loop3A_232 = arith.index_cast %parallel_loop3A_192 : i32 to index
      %parallel_loop3A_233 = tpu.vector_load %arg12[%parallel_loop3A_231, %parallel_loop3A_232] {strides = array<i32>} : memref<4x10000xf32, #tpu.memory_space<vmem>>, vector<16xf32>,
      tpu.vector_store %arg12[%parallel_loop3A_231, %parallel_loop3A_232], %parallel_loop3A_229 {strides = array<i32>} : memref<4x10000xf32, #tpu.memory_space<vmem>>, vector<16xf32>,
      %parallel_loop3A_234 = arith.constant 3 : i32
      %parallel_loop3A_235 = arith.index_cast %parallel_loop3A_234 : i32 to index
      %parallel_loop3A_236 = arith.index_cast %parallel_loop3A_192 : i32 to index
      %parallel_loop3A_237 = tpu.vector_load %arg12[%parallel_loop3A_235, %parallel_loop3A_236] {strides = array<i32>} : memref<4x10000xf32, #tpu.memory_space<vmem>>, vector<16xf32>,
      %parallel_loop3A_238 = arith.mulf %parallel_loop3A_237, %parallel_loop3A_203 : vector<16xf32>
      %parallel_loop3A_239 = arith.addf %parallel_loop3A_238, %gather3A_174 : vector<16xf32>
      %parallel_loop3A_240 = arith.constant 3 : i32
      %parallel_loop3A_241 = arith.index_cast %parallel_loop3A_240 : i32 to index
      %parallel_loop3A_242 = arith.index_cast %parallel_loop3A_192 : i32 to index
      %parallel_loop3A_243 = tpu.vector_load %arg12[%parallel_loop3A_241, %parallel_loop3A_242] {strides = array<i32>} : memref<4x10000xf32, #tpu.memory_space<vmem>>, vector<16xf32>,
      tpu.vector_store %arg12[%parallel_loop3A_241, %parallel_loop3A_242], %parallel_loop3A_239 {strides = array<i32>} : memref<4x10000xf32, #tpu.memory_space<vmem>>, vector<16xf32>,
    } {sc.loop_unroll_factor = 5 : i64, sc.parallel_access}
    %mul3A_178 = arith.constant 10000 : i32
    %mul3A_179 = arith.muli %mul3A_149, %mul3A_178 : i32
    %run_scoped3A_180 = arith.constant 0 : i32
    "tpu.region"() ({
      %run_scoped3A_190 = tpu.sem_alloc : memref<!tpu.dma_semaphore, #tpu.memory_space<semaphore_mem>>
      %dma_start3A_191 = arith.constant 0 : i32
      %dma_start3A_192 = tpu.memref_slice %arg12[%run_scoped3A_180, %dma_start3A_191] : memref<4x10000xf32, #tpu.memory_space<vmem>> -> memref<1x10000xf32, #tpu.memory_space<vmem>>
      %dma_start3A_193 = tpu.memref_squeeze %dma_start3A_192 : memref<1x10000xf32, #tpu.memory_space<vmem>> -> memref<10000xf32, #tpu.memory_space<vmem>>
      %dma_start3A_194 = tpu.memref_slice %arg7[%mul3A_179] : memref<1280000xf32, #tpu.memory_space<hbm>> -> memref<10000xf32, #tpu.memory_space<hbm>>
      %dma_start3A_195 = tpu.memref_slice %arg7[%mul3A_179] : memref<1280000xf32, #tpu.memory_space<hbm>> -> memref<10000xf32, #tpu.memory_space<hbm>>
      %dma_start3A_196 = arith.constant 0 : i32
      %dma_start3A_197 = tpu.memref_slice %arg12[%run_scoped3A_180, %dma_start3A_196] : memref<4x10000xf32, #tpu.memory_space<vmem>> -> memref<1x10000xf32, #tpu.memory_space<vmem>>
      %dma_start3A_198 = tpu.memref_squeeze %dma_start3A_197 : memref<1x10000xf32, #tpu.memory_space<vmem>> -> memref<10000xf32, #tpu.memory_space<vmem>>
      tpu.enqueue_dma source(%dma_start3A_198 : memref<10000xf32, #tpu.memory_space<vmem>>) target(%dma_start3A_195 : memref<10000xf32, #tpu.memory_space<hbm>>) target_semaphore(%run_scoped3A_190 : memref<!tpu.dma_semaphore, #tpu.memory_space<semaphore_mem>>)
      %dma_wait3A_199 = arith.constant 0 : i32
      %dma_wait3A_200 = tpu.memref_slice %arg12[%run_scoped3A_180, %dma_wait3A_199] : memref<4x10000xf32, #tpu.memory_space<vmem>> -> memref<1x10000xf32, #tpu.memory_space<vmem>>
      %dma_wait3A_201 = tpu.memref_squeeze %dma_wait3A_200 : memref<1x10000xf32, #tpu.memory_space<vmem>> -> memref<10000xf32, #tpu.memory_space<vmem>>
      %dma_wait3A_202 = tpu.memref_slice %arg7[%mul3A_179] : memref<1280000xf32, #tpu.memory_space<hbm>> -> memref<10000xf32, #tpu.memory_space<hbm>>
      %dma_wait3A_203 = tpu.memref_slice %arg7[%mul3A_179] : memref<1280000xf32, #tpu.memory_space<hbm>> -> memref<10000xf32, #tpu.memory_space<hbm>>
      %dma_wait3A_204 = arith.constant 0 : i32
      %dma_wait3A_205 = tpu.memref_slice %arg12[%run_scoped3A_180, %dma_wait3A_204] : memref<4x10000xf32, #tpu.memory_space<vmem>> -> memref<1x10000xf32, #tpu.memory_space<vmem>>
      %dma_wait3A_206 = tpu.memref_squeeze %dma_wait3A_205 : memref<1x10000xf32, #tpu.memory_space<vmem>> -> memref<10000xf32, #tpu.memory_space<vmem>>
      tpu.wait_dma2 semaphore(%run_scoped3A_190 : memref<!tpu.dma_semaphore, #tpu.memory_space<semaphore_mem>>) src(%dma_wait3A_206 : memref<10000xf32, #tpu.memory_space<vmem>>) dst(%dma_wait3A_203 : memref<10000xf32, #tpu.memory_space<hbm>>)
      tpu.yield
    }) : () -> ()
    %mul3A_181 = arith.constant 10000 : i32
    %mul3A_182 = arith.muli %add3A_153, %mul3A_181 : i32
    %run_scoped3A_183 = arith.constant 1 : i32
    "tpu.region"() ({
      %run_scoped3A_190 = tpu.sem_alloc : memref<!tpu.dma_semaphore, #tpu.memory_space<semaphore_mem>>
      %dma_start3A_191 = arith.constant 0 : i32
      %dma_start3A_192 = tpu.memref_slice %arg12[%run_scoped3A_183, %dma_start3A_191] : memref<4x10000xf32, #tpu.memory_space<vmem>> -> memref<1x10000xf32, #tpu.memory_space<vmem>>
      %dma_start3A_193 = tpu.memref_squeeze %dma_start3A_192 : memref<1x10000xf32, #tpu.memory_space<vmem>> -> memref<10000xf32, #tpu.memory_space<vmem>>
      %dma_start3A_194 = tpu.memref_slice %arg7[%mul3A_182] : memref<1280000xf32, #tpu.memory_space<hbm>> -> memref<10000xf32, #tpu.memory_space<hbm>>
      %dma_start3A_195 = tpu.memref_slice %arg7[%mul3A_182] : memref<1280000xf32, #tpu.memory_space<hbm>> -> memref<10000xf32, #tpu.memory_space<hbm>>
      %dma_start3A_196 = arith.constant 0 : i32
      %dma_start3A_197 = tpu.memref_slice %arg12[%run_scoped3A_183, %dma_start3A_196] : memref<4x10000xf32, #tpu.memory_space<vmem>> -> memref<1x10000xf32, #tpu.memory_space<vmem>>
      %dma_start3A_198 = tpu.memref_squeeze %dma_start3A_197 : memref<1x10000xf32, #tpu.memory_space<vmem>> -> memref<10000xf32, #tpu.memory_space<vmem>>
      tpu.enqueue_dma source(%dma_start3A_198 : memref<10000xf32, #tpu.memory_space<vmem>>) target(%dma_start3A_195 : memref<10000xf32, #tpu.memory_space<hbm>>) target_semaphore(%run_scoped3A_190 : memref<!tpu.dma_semaphore, #tpu.memory_space<semaphore_mem>>)
      %dma_wait3A_199 = arith.constant 0 : i32
      %dma_wait3A_200 = tpu.memref_slice %arg12[%run_scoped3A_183, %dma_wait3A_199] : memref<4x10000xf32, #tpu.memory_space<vmem>> -> memref<1x10000xf32, #tpu.memory_space<vmem>>
      %dma_wait3A_201 = tpu.memref_squeeze %dma_wait3A_200 : memref<1x10000xf32, #tpu.memory_space<vmem>> -> memref<10000xf32, #tpu.memory_space<vmem>>
      %dma_wait3A_202 = tpu.memref_slice %arg7[%mul3A_182] : memref<1280000xf32, #tpu.memory_space<hbm>> -> memref<10000xf32, #tpu.memory_space<hbm>>
      %dma_wait3A_203 = tpu.memref_slice %arg7[%mul3A_182] : memref<1280000xf32, #tpu.memory_space<hbm>> -> memref<10000xf32, #tpu.memory_space<hbm>>
      %dma_wait3A_204 = arith.constant 0 : i32
      %dma_wait3A_205 = tpu.memref_slice %arg12[%run_scoped3A_183, %dma_wait3A_204] : memref<4x10000xf32, #tpu.memory_space<vmem>> -> memref<1x10000xf32, #tpu.memory_space<vmem>>
      %dma_wait3A_206 = tpu.memref_squeeze %dma_wait3A_205 : memref<1x10000xf32, #tpu.memory_space<vmem>> -> memref<10000xf32, #tpu.memory_space<vmem>>
      tpu.wait_dma2 semaphore(%run_scoped3A_190 : memref<!tpu.dma_semaphore, #tpu.memory_space<semaphore_mem>>) src(%dma_wait3A_206 : memref<10000xf32, #tpu.memory_space<vmem>>) dst(%dma_wait3A_203 : memref<10000xf32, #tpu.memory_space<hbm>>)
      tpu.yield
    }) : () -> ()
    %mul3A_184 = arith.constant 10000 : i32
    %mul3A_185 = arith.muli %add3A_157, %mul3A_184 : i32
    %run_scoped3A_186 = arith.constant 2 : i32
    "tpu.region"() ({
      %run_scoped3A_190 = tpu.sem_alloc : memref<!tpu.dma_semaphore, #tpu.memory_space<semaphore_mem>>
      %dma_start3A_191 = arith.constant 0 : i32
      %dma_start3A_192 = tpu.memref_slice %arg12[%run_scoped3A_186, %dma_start3A_191] : memref<4x10000xf32, #tpu.memory_space<vmem>> -> memref<1x10000xf32, #tpu.memory_space<vmem>>
      %dma_start3A_193 = tpu.memref_squeeze %dma_start3A_192 : memref<1x10000xf32, #tpu.memory_space<vmem>> -> memref<10000xf32, #tpu.memory_space<vmem>>
      %dma_start3A_194 = tpu.memref_slice %arg7[%mul3A_185] : memref<1280000xf32, #tpu.memory_space<hbm>> -> memref<10000xf32, #tpu.memory_space<hbm>>
      %dma_start3A_195 = tpu.memref_slice %arg7[%mul3A_185] : memref<1280000xf32, #tpu.memory_space<hbm>> -> memref<10000xf32, #tpu.memory_space<hbm>>
      %dma_start3A_196 = arith.constant 0 : i32
      %dma_start3A_197 = tpu.memref_slice %arg12[%run_scoped3A_186, %dma_start3A_196] : memref<4x10000xf32, #tpu.memory_space<vmem>> -> memref<1x10000xf32, #tpu.memory_space<vmem>>
      %dma_start3A_198 = tpu.memref_squeeze %dma_start3A_197 : memref<1x10000xf32, #tpu.memory_space<vmem>> -> memref<10000xf32, #tpu.memory_space<vmem>>
      tpu.enqueue_dma source(%dma_start3A_198 : memref<10000xf32, #tpu.memory_space<vmem>>) target(%dma_start3A_195 : memref<10000xf32, #tpu.memory_space<hbm>>) target_semaphore(%run_scoped3A_190 : memref<!tpu.dma_semaphore, #tpu.memory_space<semaphore_mem>>)
      %dma_wait3A_199 = arith.constant 0 : i32
      %dma_wait3A_200 = tpu.memref_slice %arg12[%run_scoped3A_186, %dma_wait3A_199] : memref<4x10000xf32, #tpu.memory_space<vmem>> -> memref<1x10000xf32, #tpu.memory_space<vmem>>
      %dma_wait3A_201 = tpu.memref_squeeze %dma_wait3A_200 : memref<1x10000xf32, #tpu.memory_space<vmem>> -> memref<10000xf32, #tpu.memory_space<vmem>>
      %dma_wait3A_202 = tpu.memref_slice %arg7[%mul3A_185] : memref<1280000xf32, #tpu.memory_space<hbm>> -> memref<10000xf32, #tpu.memory_space<hbm>>
      %dma_wait3A_203 = tpu.memref_slice %arg7[%mul3A_185] : memref<1280000xf32, #tpu.memory_space<hbm>> -> memref<10000xf32, #tpu.memory_space<hbm>>
      %dma_wait3A_204 = arith.constant 0 : i32
      %dma_wait3A_205 = tpu.memref_slice %arg12[%run_scoped3A_186, %dma_wait3A_204] : memref<4x10000xf32, #tpu.memory_space<vmem>> -> memref<1x10000xf32, #tpu.memory_space<vmem>>
      %dma_wait3A_206 = tpu.memref_squeeze %dma_wait3A_205 : memref<1x10000xf32, #tpu.memory_space<vmem>> -> memref<10000xf32, #tpu.memory_space<vmem>>
      tpu.wait_dma2 semaphore(%run_scoped3A_190 : memref<!tpu.dma_semaphore, #tpu.memory_space<semaphore_mem>>) src(%dma_wait3A_206 : memref<10000xf32, #tpu.memory_space<vmem>>) dst(%dma_wait3A_203 : memref<10000xf32, #tpu.memory_space<hbm>>)
      tpu.yield
    }) : () -> ()
    %mul3A_187 = arith.constant 10000 : i32
    %mul3A_188 = arith.muli %add3A_163, %mul3A_187 : i32
    %run_scoped3A_189 = arith.constant 3 : i32
    "tpu.region"() ({
      %run_scoped3A_190 = tpu.sem_alloc : memref<!tpu.dma_semaphore, #tpu.memory_space<semaphore_mem>>
      %dma_start3A_191 = arith.constant 0 : i32
      %dma_start3A_192 = tpu.memref_slice %arg12[%run_scoped3A_189, %dma_start3A_191] : memref<4x10000xf32, #tpu.memory_space<vmem>> -> memref<1x10000xf32, #tpu.memory_space<vmem>>
      %dma_start3A_193 = tpu.memref_squeeze %dma_start3A_192 : memref<1x10000xf32, #tpu.memory_space<vmem>> -> memref<10000xf32, #tpu.memory_space<vmem>>
      %dma_start3A_194 = tpu.memref_slice %arg7[%mul3A_188] : memref<1280000xf32, #tpu.memory_space<hbm>> -> memref<10000xf32, #tpu.memory_space<hbm>>
      %dma_start3A_195 = tpu.memref_slice %arg7[%mul3A_188] : memref<1280000xf32, #tpu.memory_space<hbm>> -> memref<10000xf32, #tpu.memory_space<hbm>>
      %dma_start3A_196 = arith.constant 0 : i32
      %dma_start3A_197 = tpu.memref_slice %arg12[%run_scoped3A_189, %dma_start3A_196] : memref<4x10000xf32, #tpu.memory_space<vmem>> -> memref<1x10000xf32, #tpu.memory_space<vmem>>
      %dma_start3A_198 = tpu.memref_squeeze %dma_start3A_197 : memref<1x10000xf32, #tpu.memory_space<vmem>> -> memref<10000xf32, #tpu.memory_space<vmem>>
      tpu.enqueue_dma source(%dma_start3A_198 : memref<10000xf32, #tpu.memory_space<vmem>>) target(%dma_start3A_195 : memref<10000xf32, #tpu.memory_space<hbm>>) target_semaphore(%run_scoped3A_190 : memref<!tpu.dma_semaphore, #tpu.memory_space<semaphore_mem>>)
      %dma_wait3A_199 = arith.constant 0 : i32
      %dma_wait3A_200 = tpu.memref_slice %arg12[%run_scoped3A_189, %dma_wait3A_199] : memref<4x10000xf32, #tpu.memory_space<vmem>> -> memref<1x10000xf32, #tpu.memory_space<vmem>>
      %dma_wait3A_201 = tpu.memref_squeeze %dma_wait3A_200 : memref<1x10000xf32, #tpu.memory_space<vmem>> -> memref<10000xf32, #tpu.memory_space<vmem>>
      %dma_wait3A_202 = tpu.memref_slice %arg7[%mul3A_188] : memref<1280000xf32, #tpu.memory_space<hbm>> -> memref<10000xf32, #tpu.memory_space<hbm>>
      %dma_wait3A_203 = tpu.memref_slice %arg7[%mul3A_188] : memref<1280000xf32, #tpu.memory_space<hbm>> -> memref<10000xf32, #tpu.memory_space<hbm>>
      %dma_wait3A_204 = arith.constant 0 : i32
      %dma_wait3A_205 = tpu.memref_slice %arg12[%run_scoped3A_189, %dma_wait3A_204] : memref<4x10000xf32, #tpu.memory_space<vmem>> -> memref<1x10000xf32, #tpu.memory_space<vmem>>
      %dma_wait3A_206 = tpu.memref_squeeze %dma_wait3A_205 : memref<1x10000xf32, #tpu.memory_space<vmem>> -> memref<10000xf32, #tpu.memory_space<vmem>>
      tpu.wait_dma2 semaphore(%run_scoped3A_190 : memref<!tpu.dma_semaphore, #tpu.memory_space<semaphore_mem>>) src(%dma_wait3A_206 : memref<10000xf32, #tpu.memory_space<vmem>>) dst(%dma_wait3A_203 : memref<10000xf32, #tpu.memory_space<hbm>>)
      tpu.yield
    }) : () -> ()
    return
  }
}

module attributes {stable_mosaic.version = 14 : i64} {
  func.func @_dense_body(%arg0: memref<10000x128xf32, #tpu.memory_space<vmem>>, %arg1: memref<128x128xf32, #tpu.memory_space<vmem>>, %arg2: memref<1x128xf32, #tpu.memory_space<vmem>>, %arg3: memref<1x128xf32, #tpu.memory_space<vmem>>, %arg4: memref<1x128xf32, #tpu.memory_space<vmem>>, %arg5: memref<128x128xf32, #tpu.memory_space<vmem>>, %arg6: memref<2x128xf32, #tpu.memory_space<vmem>>, %arg7: memref<2x320000xi32, #tpu.memory_space<vmem>>, %arg8: memref<130x10000xf32, #tpu.memory_space<vmem>>, %arg9: memref<1x320000xi32, #tpu.memory_space<vmem>>, %arg10: memref<64x10000xi32, #tpu.memory_space<vmem>>) attributes {dimension_semantics = [], scalar_prefetch = 0 : i64, scratch_operands = 0 : i64, tpu.core_type = #tpu.core_type<tc>} {
    %get3A = arith.constant 0 : index
    %get3A_0 = arith.constant 0 : index
    %get3A_1 = vector.load %arg7[%get3A, %get3A_0] : memref<2x320000xi32, #tpu.memory_space<vmem>>, vector<1x320000xi32>
    %get3A_2 = arith.constant 1 : index
    %get3A_3 = arith.constant 0 : index
    %get3A_4 = vector.load %arg7[%get3A_2, %get3A_3] : memref<2x320000xi32, #tpu.memory_space<vmem>>, vector<1x320000xi32>
    %mul3A = arith.constant 16384 : i32
    %mul3A_5 = vector.broadcast %mul3A : i32 to vector<1x320000xi32>
    %mul3A_6 = arith.muli %get3A_4, %mul3A_5 : vector<1x320000xi32>
    %add3A = arith.addi %get3A_1, %mul3A_6 : vector<1x320000xi32>
    %swap3A = arith.constant 0 : index
    %swap3A_7 = arith.constant 0 : index
    %swap3A_8 = vector.load %arg9[%swap3A, %swap3A_7] : memref<1x320000xi32, #tpu.memory_space<vmem>>, vector<1x320000xi32>
    tpu.vector_store %arg9[%swap3A, %swap3A_7], %add3A {strides = array<i32>} : memref<1x320000xi32, #tpu.memory_space<vmem>>, vector<1x320000xi32>,
    %get3A_9 = arith.constant 0 : index
    %get3A_10 = arith.constant 0 : index
    %get3A_11 = vector.load %arg0[%get3A_9, %get3A_10] : memref<10000x128xf32, #tpu.memory_space<vmem>>, vector<10000x128xf32>
    %get3A_12 = arith.constant 0 : index
    %get3A_13 = arith.constant 0 : index
    %get3A_14 = vector.load %arg1[%get3A_12, %get3A_13] : memref<128x128xf32, #tpu.memory_space<vmem>>, vector<128x128xf32>
    %dot_general3A = arith.constant dense<0.000000e+00> : vector<10000x128xf32>
    %dot_general3A_15 = tpu.matmul %get3A_11, %get3A_14, %dot_general3A {dimension_numbers = #tpu.dot_dimension_numbers<[1], [1], [0], [0], [0, 0, 1, 0], [], []>, transpose_lhs_hint = false} : vector<10000x128xf32>, vector<128x128xf32>, vector<10000x128xf32> -> vector<10000x128xf32>
    %get3A_16 = arith.constant 0 : index
    %get3A_17 = arith.constant 0 : index
    %get3A_18 = vector.load %arg2[%get3A_16, %get3A_17] : memref<1x128xf32, #tpu.memory_space<vmem>>, vector<1x128xf32>
    %add3A_19 = vector.broadcast %get3A_18 : vector<1x128xf32> to vector<10000x128xf32>
    %add3A_20 = arith.addf %dot_general3A_15, %add3A_19 : vector<10000x128xf32>
    %max3A = arith.constant 0.000000e+00 : f32
    %max3A_21 = vector.broadcast %max3A : f32 to vector<10000x128xf32>
    %max3A_22 = arith.maximumf %add3A_20, %max3A_21 : vector<10000x128xf32>
    %reduce_sum3A = arith.constant dense<0.000000e+00> : vector<10000xf32>
    %reduce_sum3A_23 = vector.multi_reduction <add>, %max3A_22, %reduce_sum3A [1] : vector<10000x128xf32> to vector<10000xf32>
    %broadcast_in_dim3A = vector.shape_cast %reduce_sum3A_23 : vector<10000xf32> to vector<10000x1xf32>
    %div3A = arith.constant 1.280000e+02 : f32
    %div3A_24 = vector.broadcast %div3A : f32 to vector<10000x1xf32>
    %div3A_25 = arith.divf %broadcast_in_dim3A, %div3A_24 : vector<10000x1xf32>
    %sub3A = vector.broadcast %div3A_25 : vector<10000x1xf32> to vector<10000x128xf32>
    %sub3A_26 = arith.subf %max3A_22, %sub3A : vector<10000x128xf32>
    %mul3A_27 = arith.mulf %sub3A_26, %sub3A_26 : vector<10000x128xf32>
    %reduce_sum3A_28 = arith.constant dense<0.000000e+00> : vector<10000xf32>
    %reduce_sum3A_29 = vector.multi_reduction <add>, %mul3A_27, %reduce_sum3A_28 [1] : vector<10000x128xf32> to vector<10000xf32>
    %broadcast_in_dim3A_30 = vector.shape_cast %reduce_sum3A_29 : vector<10000xf32> to vector<10000x1xf32>
    %div3A_31 = arith.constant 1.280000e+02 : f32
    %div3A_32 = vector.broadcast %div3A_31 : f32 to vector<10000x1xf32>
    %div3A_33 = arith.divf %broadcast_in_dim3A_30, %div3A_32 : vector<10000x1xf32>
    %add3A_34 = arith.constant 9.99999974E-6 : f32
    %add3A_35 = vector.broadcast %add3A_34 : f32 to vector<10000x1xf32>
    %add3A_36 = arith.addf %div3A_33, %add3A_35 : vector<10000x1xf32>
    %rsqrt3A = math.rsqrt %add3A_36 : vector<10000x1xf32>
    %mul3A_37 = vector.broadcast %rsqrt3A : vector<10000x1xf32> to vector<10000x128xf32>
    %mul3A_38 = arith.mulf %sub3A_26, %mul3A_37 : vector<10000x128xf32>
    %get3A_39 = arith.constant 0 : index
    %get3A_40 = arith.constant 0 : index
    %get3A_41 = vector.load %arg3[%get3A_39, %get3A_40] : memref<1x128xf32, #tpu.memory_space<vmem>>, vector<1x128xf32>
    %mul3A_42 = vector.broadcast %get3A_41 : vector<1x128xf32> to vector<10000x128xf32>
    %mul3A_43 = arith.mulf %mul3A_38, %mul3A_42 : vector<10000x128xf32>
    %get3A_44 = arith.constant 0 : index
    %get3A_45 = arith.constant 0 : index
    %get3A_46 = vector.load %arg4[%get3A_44, %get3A_45] : memref<1x128xf32, #tpu.memory_space<vmem>>, vector<1x128xf32>
    %add3A_47 = vector.broadcast %get3A_46 : vector<1x128xf32> to vector<10000x128xf32>
    %add3A_48 = arith.addf %mul3A_43, %add3A_47 : vector<10000x128xf32>
    %get3A_49 = arith.constant 0 : index
    %get3A_50 = arith.constant 0 : index
    %get3A_51 = vector.load %arg5[%get3A_49, %get3A_50] : memref<128x128xf32, #tpu.memory_space<vmem>>, vector<128x128xf32>
    %dot_general3A_52 = arith.constant dense<0.000000e+00> : vector<128x10000xf32>
    %dot_general3A_53 = tpu.matmul %get3A_51, %add3A_48, %dot_general3A_52 {dimension_numbers = #tpu.dot_dimension_numbers<[1], [1], [0], [0], [0, 0, 1, 0], [], []>, transpose_lhs_hint = false} : vector<128x128xf32>, vector<10000x128xf32>, vector<128x10000xf32> -> vector<128x10000xf32>
    %get3A_54 = arith.constant 0 : index
    %get3A_55 = arith.constant 0 : index
    %get3A_56 = vector.load %arg6[%get3A_54, %get3A_55] : memref<2x128xf32, #tpu.memory_space<vmem>>, vector<2x128xf32>
    %dot_general3A_57 = arith.constant dense<0.000000e+00> : vector<2x10000xf32>
    %dot_general3A_58 = tpu.matmul %get3A_56, %dot_general3A_53, %dot_general3A_57 {dimension_numbers = #tpu.dot_dimension_numbers<[1], [0], [0], [1], [0, 0, 1, 1], [], []>, transpose_lhs_hint = false} : vector<2x128xf32>, vector<128x10000xf32>, vector<2x10000xf32> -> vector<2x10000xf32>
    %swap3A_59 = arith.constant 0 : index
    %swap3A_60 = arith.constant 0 : index
    %swap3A_61 = vector.load %arg8[%swap3A_59, %swap3A_60] : memref<130x10000xf32, #tpu.memory_space<vmem>>, vector<128x10000xf32>
    tpu.vector_store %arg8[%swap3A_59, %swap3A_60], %dot_general3A_53 {strides = array<i32>} : memref<130x10000xf32, #tpu.memory_space<vmem>>, vector<128x10000xf32>,
    %swap3A_62 = arith.constant 128 : index
    %swap3A_63 = arith.constant 0 : index
    %swap3A_64 = vector.load %arg8[%swap3A_62, %swap3A_63] : memref<130x10000xf32, #tpu.memory_space<vmem>>, vector<2x10000xf32>
    tpu.vector_store %arg8[%swap3A_62, %swap3A_63], %dot_general3A_58 {strides = array<i32>} : memref<130x10000xf32, #tpu.memory_space<vmem>>, vector<2x10000xf32>,
    %bitcast_convert_type3A = tpu.bitcast %dot_general3A_53 : vector<128x10000xf32> -> vector<128x10000xi32>
    %add3A_65 = arith.constant 32768 : i32
    %add3A_66 = vector.broadcast %add3A_65 : i32 to vector<128x10000xi32>
    %add3A_67 = arith.addi %bitcast_convert_type3A, %add3A_66 : vector<128x10000xi32>
    %slice3A = vector.extract_strided_slice %add3A_67 {offsets = [0, 0], sizes = [64, 10000], strides = [1, 1]} : vector<128x10000xi32> to vector<64x10000xi32>
    %shift_right_logical3A = arith.constant 16 : i32
    %shift_right_logical3A_68 = vector.broadcast %shift_right_logical3A : i32 to vector<64x10000xi32>
    %shift_right_logical3A_69 = arith.shrui %slice3A, %shift_right_logical3A_68 : vector<64x10000xi32>
    %slice3A_70 = vector.extract_strided_slice %add3A_67 {offsets = [64, 0], sizes = [64, 10000], strides = [1, 1]} : vector<128x10000xi32> to vector<64x10000xi32>
    %and3A = arith.constant -65536 : i32
    %and3A_71 = vector.broadcast %and3A : i32 to vector<64x10000xi32>
    %and3A_72 = arith.andi %slice3A_70, %and3A_71 : vector<64x10000xi32>
    %or3A = arith.ori %and3A_72, %shift_right_logical3A_69 : vector<64x10000xi32>
    %swap3A_73 = arith.constant 0 : index
    %swap3A_74 = arith.constant 0 : index
    %swap3A_75 = vector.load %arg10[%swap3A_73, %swap3A_74] : memref<64x10000xi32, #tpu.memory_space<vmem>>, vector<64x10000xi32>
    tpu.vector_store %arg10[%swap3A_73, %swap3A_74], %or3A {strides = array<i32>} : memref<64x10000xi32, #tpu.memory_space<vmem>>, vector<64x10000xi32>,
    return
  }
}

</mosaic_0001>

<sc_bundles>
// kernel: kernel.4.cloned.1.call-start
scs
__scs_entry_jumppad:
0x0: {  	(pc) =	sbr.rel $0x88, $3  }
0x1: {  	(tag) =	ssettag $0x0;
	lr =	simm.s32 $0x1  }
0x2: {  	[smem:$0x3F97] =	sst lr;
	_ =	strace $0xD0000000  }
0x3: {  	_ = 	snop  }
0x4: {  	_ = 	snop  }
0x5: {  	_ = 	snop  }
0x6: {  	_ = 	snop  }
0x7: {  	_ = 	snop  }
__scs_overlays_trampoline_lowered:
0x8: {  	[smem:$0x3FA6] =	sst s0  }
0x9: {  	[smem:$0x3FA7] =	sst s1  }
0xa: {  	[smem:$0x3FA8] =	sst s2  }
0xb: {  	[smem:$0x3FA9] =	sst s3  }
0xc: {  	[smem:$0x3FAA] =	sst s4  }
0xd: {  	[smem:$0x3FAB] =	sst s5  }
0xe: {  	[smem:$0x3FAC] =	sst s6  }
0xf: {  	[smem:$0x3FAD] =	sst s7  }
0x10: {  	[smem:$0x3FAE] =	sst s8  }
0x11: {  	[smem:$0x3FAF] =	sst s9;
	s0 =	simm.s32 @!p0 $0x0  }
0x12: {  	s1 =	sld [smem:$0x3F95];
	s0 =	simm.s32 @p0 $0x1  }
0x13: {  	[smem:$0x3FB0] =	sst s0;
	s0 =	simm.s32 @!p1 $0x0  }
0x14: {  	s2 =	sld [smem:$0x3F94];
	s0 =	simm.s32 @p1 $0x1  }
0x15: {  	[smem:$0x3FB1] =	sst s0;
	s0 =	simm.s32 @!p2 $0x0  }
0x16: {  	s3 =	sld [smem:$0x3FDB];
	s0 =	simm.s32 @p2 $0x1  }
0x17: {  	s4 =	simm.s32 $0x1BF5;
	[smem:$0x3FB3] =	sst s0  }
0x18: {  	s0 =	sld [smem:$0x3F96];
	_ =	swait.ge [sflag:s4], $0x0  }
0x19: {  	s7 =	sld [smem:$0x3F97]  }
0x1a: {  	s8 =	sadd.s32 $0xFFFFE003, lr  }
0x1b: {  	s9 =	sadd.s32 $0xFFFFFEF7, lr;
	s5 =	simm.s32 $0xFFFFFFFF;
	p2 =	slt.u32 s8, $0xFFFFF086  }
0x1c: {  	p1 =	slt.u32 s9, $0xF7A;
	s5 =	simm.s32 @!p2 $0x0  }
0x1d: {  	s5 =	simm.s32 @p1 $0x1;
	p0 =	seq.s32 s7, s2  }
0x1e: {  	s7 =	smul.u32 @!p0 $0xF7A, s2;
	p2 =	seq.s32 @!p0 s5, $0x0  }
0x1f: {  	s9 =	smul.u32 $0xF7A, s1;
	s8 =	simm.s32 @!p0 $0x1BF5;
	p2 =	por !p2, p0  }
0x20: {  	[sflag:s8] =	ssyncset.s32 @!p0 $0xFFFFF086;
	s6 =	sadd.s32 @!p0 s3, s7;
	s7 =	simm.s32 @!p0 $0x108  }
0x21: {  	s3 =	sadd.s32 s3, s9;
	s6 =	sadd.s32 @!p0 $0x88, s6;
	s7 =	simm.s32 @p2 $0x1082  }
0x22: {  	[simem:s7], [sflag:s8] =	dma.local @!p0 [hbm:s6], $0xF7A  }
0x23: {  	s9 =	sor.u32 $0xD0000000, s2;
	s6 =	simm.s32 $0x108;
	_ =	swait.ge @!p0 [sflag:s8], $0x0  }
0x24: {  	s3 =	sadd.s32 $0x88, s3;
	s6 =	simm.s32 @!p1 $0x1082;
	[sflag:s4] =	ssyncset.s32 $0xFFFFF086  }
0x25: {  	[simem:s6], [sflag:s4] =	dma.local [hbm:s3], $0xF7A  }
0x26: {  	[smem:$0x3F97] =	sst s1;
	(tag) =	ssettag s2;
	_ =	strace s9  }
0x27: {  	s1 =	sld [smem:$0x3FA7]  }
0x28: {  	s2 =	sld [smem:$0x3FA8]  }
0x29: {  	s4 =	sld [smem:$0x3FAA]  }
0x2a: {  	p0 =	seq.s32 s5, $0x0;
	s5 =	sld [smem:$0x3FAB]  }
0x2b: {  	s6 =	sld [smem:$0x3FAC]  }
0x2c: {  	s7 =	sld [smem:$0x3FAD]  }
0x2d: {  	s3 =	simm.s32 $0x108;
	s8 =	sld [smem:$0x3FAE]  }
0x2e: {  	s3 =	simm.s32 @!p0 $0x1082;
	s9 =	sld [smem:$0x3FAF]  }
0x2f: {  	lr =	sadd.s32 s0, s3;
	s0 =	sld [smem:$0x3FA6]  }
0x30: {  	s3 =	sld [smem:$0x3FA9]  }
0x31: {  	[smem:$0x3FB2] =	sst s10  }
0x32: {  	s10 =	sld [smem:$0x3FB0];
	_ =	sdelay $0x3  }
0x33: {  	p0 =	seq.s32 s10, $0x1;
	s10 =	sld [smem:$0x3FB2];
	_ =	sdelay $0x3  }
0x34: {  	[smem:$0x3FB2] =	sst s10  }
0x35: {  	s10 =	sld [smem:$0x3FB1];
	_ =	sdelay $0x3  }
0x36: {  	p1 =	seq.s32 s10, $0x1;
	s10 =	sld [smem:$0x3FB2];
	_ =	sdelay $0x3  }
0x37: {  	[smem:$0x3FB2] =	sst s10  }
0x38: {  	s10 =	sld [smem:$0x3FB3]  }
0x39: {  	_ = 	snop;
	(pc) =	sbr.ind lr, $3  }
0x3a: {  	_ = 	snop  }
0x3b: {  	_ = 	snop  }
0x3c: {  	p2 =	seq.s32 s10, $0x1;
	s10 =	sld [smem:$0x3FB2]  }
0x3d: {  	_ =	shalt  }
0x3e: {  	_ =	shalt  }
0x3f: {  	_ =	shalt  }
0x40: {  	_ =	shalt  }
0x41: {  	_ =	shalt  }
0x42: {  	_ =	shalt  }
0x43: {  	_ =	shalt  }
0x44: {  	_ =	shalt  }
0x45: {  	_ =	shalt  }
0x46: {  	_ =	shalt  }
0x47: {  	_ =	shalt  }
0x48: {  	_ =	shalt  }
0x49: {  	_ =	shalt  }
0x4a: {  	_ =	shalt  }
0x4b: {  	_ =	shalt  }
0x4c: {  	_ =	shalt  }
0x4d: {  	_ =	shalt  }
0x4e: {  	_ =	shalt  }
0x4f: {  	_ =	shalt  }
0x50: {  	_ =	shalt  }
0x51: {  	_ =	shalt  }
0x52: {  	_ =	shalt  }
0x53: {  	_ =	shalt  }
0x54: {  	_ =	shalt  }
0x55: {  	_ =	shalt  }
0x56: {  	_ =	shalt  }
0x57: {  	_ =	shalt  }
0x58: {  	_ =	shalt  }
0x59: {  	_ =	shalt  }
0x5a: {  	_ =	shalt  }
0x5b: {  	_ =	shalt  }
0x5c: {  	_ =	shalt  }
0x5d: {  	_ =	shalt  }
0x5e: {  	_ =	shalt  }
0x5f: {  	_ =	shalt  }
0x60: {  	_ =	shalt  }
0x61: {  	_ =	shalt  }
0x62: {  	_ =	shalt  }
0x63: {  	_ =	shalt  }
0x64: {  	_ =	shalt  }
0x65: {  	_ =	shalt  }
0x66: {  	_ =	shalt  }
0x67: {  	_ =	shalt  }
0x68: {  	_ =	shalt  }
0x69: {  	_ =	shalt  }
0x6a: {  	_ =	shalt  }
0x6b: {  	_ =	shalt  }
0x6c: {  	_ =	shalt  }
0x6d: {  	_ =	shalt  }
0x6e: {  	_ =	shalt  }
0x6f: {  	_ =	shalt  }
0x70: {  	_ =	shalt  }
0x71: {  	_ =	shalt  }
0x72: {  	_ =	shalt  }
0x73: {  	_ =	shalt  }
0x74: {  	_ =	shalt  }
0x75: {  	_ =	shalt  }
0x76: {  	_ =	shalt  }
0x77: {  	_ =	shalt  }
0x78: {  	_ =	shalt  }
0x79: {  	_ =	shalt  }
0x7a: {  	_ =	shalt  }
0x7b: {  	_ =	shalt  }
0x7c: {  	_ =	shalt  }
0x7d: {  	_ =	shalt  }
0x7e: {  	_ =	shalt  }
0x7f: {  	_ =	shalt  }
0x80: {  	_ =	shalt  }
0x81: {  	_ =	shalt  }
0x82: {  	_ =	shalt  }
0x83: {  	_ =	shalt  }
0x84: {  	_ =	shalt  }
0x85: {  	_ =	shalt  }
0x86: {  	_ =	shalt  }
0x87: {  	_ =	shalt  }
.Lfunc_end0:
.L_simem_size_0:
called_computation_lowered:
.L_overlay_start_0:
0x88: {  	s2 =	sld [smem:$0x3FD9]  }
0x89: {  	s3 =	sld [smem:$0x3FFE];
	_ =	sdelay $0x1  }
0x8a: {  	s1 =	srdreg.scid  }
0x8b: {  	s0 =	sand.u32 $0x1, s1  }
0x8c: {  	s17 =	sshll.u32 s0, $0xA;
	s2 =	sadd.s32 s3, s2  }
0x8d: {  	s2 =	sadd.s32 s2, s17  }
0x8e: {  	[smem:$0x3FBE] =	sst s2  }
0x8f: {  	_ = 	snop  }
0x90: {  	s2 =	sld [smem:$0x3FC0]  }
0x91: {  	s18 =	sld [smem:$0x3FD0];
	(tm) =	ssettm $0x1  }
0x92: {  	s4 =	sld [smem:$0x3FFB];
	_ =	sdelay $0x3  }
0x93: {  	_ =	strace s4  }
0x94: {  	s4 =	sld [smem:$0x3FFC];
	_ =	sdelay $0x3  }
0x95: {  	_ =	strace s4  }
0x96: {  	s4 =	sld [smem:$0x3FFD];
	_ =	sdelay $0x3  }
0x97: {  	_ =	strace s4  }
0x98: {  	_ =	strace $0x8FFFFFFF  }
0x99: {  	s19 =	sld [smem:$0x3FDB];
	_ =	sdelay $0x1  }
0x9a: {  	s5 =	simm.s32 $_scs_section_size  }
0x9b: {  	s6 =	simm.s32 $_size__tile_overlayer_lowered;
	s7 =	simm.s32 $_tile_overlayer_lowered  }
0x9c: {  	s22 =	simm.s32 $0x1BFF;
	s21 =	sshll.u32 s7, $0x1;
	s4 =	sadd.s32 s5, s19  }
0x9d: {  	s8 =	simm.s32 $0x0;
	s20 =	sshll.u32 s6, $0x1;
	s6 =	sadd.s32 s21, s4  }
0x9e: {  	[timem:s8], [sflag:s22] =	dma.local [hbm:s6], s20  }
0x9f: {  	_ =	swait.ge [sflag:s22], s20  }
0xa0: {  	s5 =	ssub.s32 $0x0, s20;
	[sflag:s22] =	ssyncset.done $0x0  }
0xa1: {  	[sflag:s22] =	ssyncadd.s32 s5;
	_ =	sdelay $0x1  }
0xa2: {  	s23 =	simm.s32 $0x1B8B  }
0xa3: {  	_ =	swait.ge [sflag:s23], $0x1  }
0xa4: {  	[sflag:s23] =	ssyncset.done $0x0  }
0xa5: {  	s25 =	simm.s32 $0x1B8E;
	s24 =	sld [smem:$0x3FFE];
	[sflag:s23] =	ssyncadd.s32 $0xFFFFFFFF  }
0xa6: {  	s26 =	simm.s32 $execute0_lowered;
	[smem:$0x3FD2] =	sst s25  }
0xa7: {  	s6 =	sshll.u32 s26, $0x1;
	_ =	strace $0x80000046;
	[dreg:$0x1] =	wrdreg $0xFFFFFFFF  }
0xa8: {  	s28 =	simm.s32 $_size_execute0_lowered;
	s4 =	sadd.s32 s4, s6;
	[dreg:$0x0] =	wrdreg $0x0  }
0xa9: {  	s6 =	sshll.u32 s28, $0x1;
	[dreg:$0x2] =	wrdreg s4  }
0xaa: {  	[dreg:$0x3] =	wrdreg s6  }
0xab: {  	[dreg:$0x4] =	wrdreg $0xC0  }
0xac: {  	_ =	task [dreg:s8], $0x5FFFF  }
0xad: {  	[dreg:$0x1] =	wrdreg $0xFFFFFFFF  }
0xae: {  	[dreg:$0x0] =	wrdreg $0x60  }
0xaf: {  	[dreg:$0x2] =	wrdreg s24  }
0xb0: {  	[dreg:$0x3] =	wrdreg s2  }
0xb1: {  	[dreg:$0x4] =	wrdreg s18  }
0xb2: {  	[dreg:$0x5] =	wrdreg $0x9  }
0xb3: {  	_ =	task.clear_ibuf [dreg:s8], $0x6FFFF;
	_ =	strace $0x90000046  }
0xb4: {  	s29 =	simm.s32 $0x9;
	_ =	strace $0x80000048  }
0xb5: {  	_ =	swait.ge [sflag:s29], $0x1  }
0xb6: {  	[sflag:s29] =	ssyncadd.s32 $0xFFFFFFFF  }
0xb7: {  	_ =	strace $0x90000048  }
0xb8: {  	_ =	sfence  }
0xb9: {  	s30 =	sld [smem:$0x0];
	_ =	sdelay $0x2  }
0xba: {  	s31 =	sshll.u32 s1, $0xD;
	s1 =	sshrl.u32 s1, $0x2  }
0xbb: {  	s3 =	sand.u32 $0x4000, s31;
	s1 =	sadd.s32 s1, s30  }
0xbc: {  	s0 =	sor.u32 s3, s0;
	s1 =	sshll.u32 s1, $0x11  }
0xbd: {  	s0 =	sor.u32 s1, s0  }
0xbe: {  	s0 =	sadd.s32 $0x8F2B, s0  }
0xbf: {  	[sflag:s0] =	ssyncadd.remote.s32 $0x1  }
0xc0: {  	_ =	sfence.sel $0xFFFF  }
0xc1: {  	[dreg:$0x0] =	wrdreg $0xFFFFFFFF;
	(pc) =	sbr.abs _section_cstart, $3  }
0xc2: {  	[dreg:$0x1] =	wrdreg $0xFFFFFFFF  }
0xc3: {  	_ =	task.clear_ibuf [dreg:s8], $0x2FFFF;
	_ =	strace $0x9FFFFFFF  }
0xc4: {  	(tm) =	ssettm $0x7FFFFFFF  }
0xc5: {  	_ =	shalt  }
tec
execute0_lowered:
.L_overlay_start_1:
0x0: {  	(tag) =	ssettag $0x1  }
0x1: {  	s0 =	rddreg [dreg:$0x0]  }
0x2: {  	s1 =	rddreg [dreg:$0x2];
	s2 =	simm.s32 $0x0;
	s3 =	srdreg.scid  }
0x3: {  	s11 =	stileid.u32;
	s28 =	simm.s32 $0x4E20;
	s30 =	simm.s32 $0x15F90  }
0x4: {  	s31 =	simm.s32 $0x16010;
	s29 =	simm.s32 $0x2;
	[smem:$0x7FF] =	sst s2  }
0x5: {  	s4 =	sadd.s32 $0x15000, s0;
	s3 =	sand.u32 $0x1, s3;
	s5 =	sadd.s32 $0x1600, s0  }
0x6: {  	s7 =	sadd.s32 $0x1000, s0;
	s22 =	sadd.s32 $0xA00, s0;
	s14 =	smul.u32 $0x4E20, s11  }
0x7: {  	_ =	strace $0x80000047;
	s6 =	sshll.u32 s3, $0x4;
	[dreg:$0x4] =	wrdreg s7  }
0x8: {  	[dreg:$0x5] =	wrdreg s22;
	s7 =	sadd.s32 $0x1EE00, s0;
	s8 =	ssub.s32 $0x2, s3  }
0x9: {  	s0 =	sadd.s32 $0x150FA, s0;
	s6 =	sor.u32 s11, s6;
	s9 =	sshrl.u32 s8, $0x1  }
0xa: {  	s11 =	sshrl.u32 s14, $0x3;
	s13 =	sadd.s32 $0xFA0, s14;
	[dreg:$0x8] =	wrdreg s0  }
0xb: {  	s0 =	simm.s32 $0x167E0;
	s10 =	smul.u32 $0x9C4, s6;
	s15 =	sshllo.u32 s6, $0x1  }
0xc: {  	s8 =	ssub.s32 s8, s9;
	s6 =	sshll.u32 s6, $0x1;
	s9 =	smul.u32 $0x4E200, s3  }
0xd: {  	s11 =	sadd.s32 s4, s11;
	s3 =	simm.s32 $0x1;
	s16 =	smul.u32 $0x4E2, s15  }
0xe: {  	s17 =	sor.u32 $0x40, s6;
	s18 =	sor.u32 $0x41, s6;
	v2 =	vmov s6;
	s6 =	simm.s32 $0x17780  }
0xf: {  	v0 =	vmov s15;
	s15 =	simm.s32 $0x9C40;
	s23 =	sadd.s32 s5, s10;
	s25 =	smul.u32 $0x4E2, s17  }
0x10: {  	s12 =	sadd.s32 s14, s9;
	s14 =	sadd.s32 $0x1770, s14;
	s26 =	smul.u32 $0x4E2, s18  }
0x11: {  	s19 =	sadd.s32 s1, s10;
	s10 =	simm.s32 $0x13880;
	[dreg:$0x6] =	wrdreg s23  }
0x12: {  	s24 =	sadd.s32 s5, s16;
	[dreg:$0x9] =	wrdreg s19;
	s21 =	sadd.s32 s1, s16  }
0x13: {  	s23 =	sshrl.u32 s9, $0x3;
	s5 =	simm.s32 $0x4;
	[dreg:$0x7] =	wrdreg s24  }
0x14: {  	s16 =	simm.s32 $0x0;
	s20 =	sadd.s32 s1, s25;
	[dreg:$0xb] =	wrdreg s21  }
0x15: {  	s22 =	sadd.s32 s1, s26;
	s24 =	smax.u32 s8, $0x1;
	[dreg:$0xa] =	wrdreg s20  }
0x16: {  	s25 =	sadd.s32 $0xFA, s11;
	s1 =	simm.s32 $0x16FB0;
	[dreg:$0xc] =	wrdreg s22  }
0x17: {  	s8 =	simm.s32 $0x3;
	s20 =	sadd.s32 s7, s23;
	[dreg:$0xd] =	wrdreg s24  }
0x18: {  	v4 =	vimm.f32 $0.0e+00;
	v3 =	vmov s17;
	[dreg:$0xe] =	wrdreg s25;
	s23 =	sadd.s32 $0x7D0, s12;
	s26 =	sadd.s32 $0xFA, s20  }
0x19: {  	v1 =	vmov s18;
	v2 =	vbroadcast v2, $0x0;
	v3 =	vbroadcast v3, $0x0;
	s25 =	simm.s32 $0x5;
	[dreg:$0xf] =	wrdreg s26;
	s26 =	simm.s32 $0x2710  }
.LBB2_1:
0x1a: {  	s17 =	rddreg [dreg:$0x4]  }
0x1b: {  	[tilespmem:s2], [sflag:$0x5] =	stream.linear.gather [hbm4b:s17+s2], $0x2710, $0x38;
	[tilespmem:$0x17F50] =	vst v63  }
0x1c: {  	_ =	swait.ge [sflag:s25], $0x2710  }
0x1d: {  	[sflag:s25] =	ssyncset.done $0x0  }
0x1e: {  	s19 =	rddreg [dreg:$0x5];
	[sflag:s25] =	ssyncadd.s32 $0xFFFFD8F0  }
0x1f: {  	[tilespmem:s26], [sflag:$0x5] =	stream.linear.gather [hbm4b:s19+s2], $0x2710, $0x38;
	[tilespmem:$0x17F50] =	vst v63  }
0x20: {  	_ =	swait.ge [sflag:s25], $0x2710  }
0x21: {  	[sflag:s25] =	ssyncset.done $0x0  }
0x22: {  	s21 =	rddreg [dreg:$0x6];
	[sflag:s25] =	ssyncadd.s32 $0xFFFFD8F0  }
0x23: {  	[tilespmem:s28], [sflag:$0x5] =	stream.linear.gather [hbm4b:s21+s2], $0x2710, $0x38;
	[tilespmem:$0x17F50] =	vst v63  }
0x24: {  	_ =	swait.ge [sflag:s25], $0x2710  }
0x25: {  	[sflag:s25] =	ssyncset.done $0x0  }
0x26: {  	s18 =	simm.s32 $0x7530;
	s22 =	rddreg [dreg:$0x7];
	[sflag:s25] =	ssyncadd.s32 $0xFFFFD8F0  }
0x27: {  	[tilespmem:s18], [sflag:$0x5] =	stream.linear.gather [hbm4b:s22+s2], $0x2710, $0x38;
	[tilespmem:$0x17F50] =	vst v63  }
0x28: {  	_ =	swait.ge [sflag:s25], $0x2710  }
0x29: {  	[sflag:s25] =	ssyncset.done $0x0  }
0x2a: {  	[sflag:s25] =	ssyncadd.s32 $0xFFFFD8F0  }
0x2b: {  	s24 =	rddreg [dreg:$0x1]  }
0x2c: {  	[tilespmem:s30], [sflag:$0x5] =	stream.linear.gather [hbm4b:s24+s2], $0x80, $0x38;
	[tilespmem:$0x17F50] =	vst v63  }
0x2d: {  	_ =	swait.ge [sflag:s25], $0x80  }
0x2e: {  	[sflag:s25] =	ssyncset.done $0x0  }
0x2f: {  	s17 =	simm.s32 $0x0;
	[sflag:s25] =	ssyncadd.s32 $0xFFFFFF80  }
0x30: {  	[tilespmem:s17+$0x111B0] =	vst v4  }
0x31: {  	[tilespmem:s17+$0x13880] =	vst v4  }
0x32: {  	[tilespmem:s17+$0x9C40] =	vst v4  }
0x33: {  	[tilespmem:s17+$0xC350] =	vst v4  }
0x34: {  	[tilespmem:s17+$0xEA60] =	vst v4  }
0x35: {  	[tilespmem:s17+$0x11170] =	vst v4  }
0x36: {  	[tilespmem:s17+$0x13890] =	vst v4  }
0x37: {  	[tilespmem:s17+$0x9C50] =	vst v4  }
0x38: {  	[tilespmem:s17+$0xC360] =	vst v4  }
0x39: {  	[tilespmem:s17+$0xEA70] =	vst v4  }
0x3a: {  	[tilespmem:s17+$0x11180] =	vst v4  }
0x3b: {  	[tilespmem:s17+$0x138A0] =	vst v4  }
0x3c: {  	[tilespmem:s17+$0x9C60] =	vst v4  }
0x3d: {  	[tilespmem:s17+$0xC370] =	vst v4  }
0x3e: {  	[tilespmem:s17+$0xEA80] =	vst v4  }
0x3f: {  	[tilespmem:s17+$0x11190] =	vst v4  }
0x40: {  	[tilespmem:s17+$0x138B0] =	vst v4  }
0x41: {  	[tilespmem:s17+$0x9C70] =	vst v4  }
0x42: {  	[tilespmem:s17+$0xC380] =	vst v4  }
0x43: {  	[tilespmem:s17+$0xEA90] =	vst v4  }
0x44: {  	[tilespmem:s17+$0x111A0] =	vst v4  }
0x45: {  	[tilespmem:s17+$0x138C0] =	vst v4  }
0x46: {  	[tilespmem:s17+$0x9C80] =	vst v4  }
0x47: {  	s19 =	simm.s32 $0x140;
	s18 =	simm.s32 $0x0;
	[tilespmem:s17+$0xC390] =	vst v4  }
.LBB2_2:
0x48: {  	s18 =	sadd.s32 $0x5, s18;
	[tilespmem:s17+$0xEAA0] =	vst v4;
	s17 =	sshra.s32 s19, $0x2  }
0x49: {  	[tilespmem:s17+$0x111B0] =	vst v4;
	p0 =	slt.u32 s18, $0x26C  }
0x4a: {  	[tilespmem:s17+$0x13880] =	vst v4  }
0x4b: {  	[tilespmem:s17+$0x9C40] =	vst v4  }
0x4c: {  	[tilespmem:s17+$0xC350] =	vst v4  }
0x4d: {  	[tilespmem:s17+$0xEA60] =	vst v4  }
0x4e: {  	[tilespmem:s17+$0x11170] =	vst v4  }
0x4f: {  	[tilespmem:s17+$0x13890] =	vst v4  }
0x50: {  	[tilespmem:s17+$0x9C50] =	vst v4  }
0x51: {  	[tilespmem:s17+$0xC360] =	vst v4  }
0x52: {  	[tilespmem:s17+$0xEA70] =	vst v4  }
0x53: {  	[tilespmem:s17+$0x11180] =	vst v4  }
0x54: {  	[tilespmem:s17+$0x138A0] =	vst v4  }
0x55: {  	[tilespmem:s17+$0x9C60] =	vst v4  }
0x56: {  	[tilespmem:s17+$0xC370] =	vst v4  }
0x57: {  	[tilespmem:s17+$0xEA80] =	vst v4  }
0x58: {  	[tilespmem:s17+$0x11190] =	vst v4  }
0x59: {  	[tilespmem:s17+$0x138B0] =	vst v4  }
0x5a: {  	[tilespmem:s17+$0x9C70] =	vst v4  }
0x5b: {  	[tilespmem:s17+$0xC380] =	vst v4  }
.Ltmp0:
0x5c: {  	[tilespmem:s17+$0xEA90] =	vst v4;
	(pc) =	sbr.rel @p0 .LBB2_2-.Ltmp0, $4  }
0x5d: {  	[tilespmem:s17+$0x111A0] =	vst v4  }
0x5e: {  	[tilespmem:s17+$0x138C0] =	vst v4  }
0x5f: {  	[tilespmem:s17+$0x9C80] =	vst v4  }
0x60: {  	s19 =	sadd.s32 $0x140, s19;
	[tilespmem:s17+$0xC390] =	vst v4  }
0x61: {  	[tilespmem:s17+$0xEAA0] =	vst v4;
	s17 =	simm.s32 $0x0  }
0x62: {  	[tilespmem:s31], [sflag:$0x1] =	stream.linear.gather [hbm4b:s11+s17], $0x7D0, $0x38;
	[tilespmem:$0x17F50] =	vst v63  }
0x63: {  	s18 =	rddreg [dreg:$0xe]  }
0x64: {  	[tilespmem:s0], [sflag:$0x2] =	stream.linear.gather [hbm4b:s18+s17], $0x7D0, $0x38;
	[tilespmem:$0x17F50] =	vst v63  }
.LBB2_4:
0x65: {  	_ =	swait.ge [sflag:s3], $0x7D0  }
0x66: {  	p0 =	seq.s32 s17, $0x0;
	[sflag:s3] =	ssyncset.done $0x0  }
0x67: {  	s18 =	simm.s32 @!p0 $0x3;
	[sflag:s3] =	ssyncadd.s32 $0xFFFFF830  }
0x68: {  	_ =	swait.ge @!p0 [sflag:s18], $0x7D0  }
0x69: {  	[sflag:s18] =	ssyncset.done @!p0 $0x0  }
0x6a: {  	s21 =	simm.s32 $0x16030;
	[sflag:s18] =	ssyncadd.s32 @!p0 $0xFFFFF830  }
0x6b: {  	v5 =	vld [tilespmem:s21+$0x20];
	_ =	sdelay $0x1  }
0x6c: {  	v6 =	vld [tilespmem:s21+$0xFFFFFFF0]  }
0x6d: {  	v7 =	vld [tilespmem:s21+$0xFFFFFFE0]  }
0x6e: {  	v10 =	vld [tilespmem:s21+$0x0]  }
0x6f: {  	s22 =	simm.s32 $0x16080;
	v11 =	vld [tilespmem:s21+$0x10];
	v8 =	vand.u32 $0x3FFF, v5  }
0x70: {  	v13 =	vld [tilespmem:s22+$0x20];
	v5 =	vshrl.u32 v5, $0xE  }
0x71: {  	v15 =	vld [tilespmem:s22+$0xFFFFFFF0];
	v9 =	vand.u32 $0x3FFF, v6  }
0x72: {  	v16 =	vld [tilespmem:s22+$0x0];
	v6 =	vshrl.u32 v6, $0xE  }
0x73: {  	v19 =	vld [tilespmem:s22+$0xFFFFFFE0];
	v12 =	vand.u32 $0x3FFF, v7  }
0x74: {  	v7 =	vshrl.u32 v7, $0xE;
	v8 =	vld.idx.msk [tilespmem:v8+s2+$0x0], $0xffff  }
0x75: {  	v5 =	vld.idx.msk [tilespmem:v5+s26+$0x0], $0xffff  }
0x76: {  	v14 =	vand.u32 $0x3FFF, v10;
	v9 =	vld.idx.msk [tilespmem:v9+s2+$0x0], $0xffff  }
0x77: {  	v10 =	vshrl.u32 v10, $0xE;
	v6 =	vld.idx.msk [tilespmem:v6+s26+$0x0], $0xffff  }
0x78: {  	v17 =	vand.u32 $0x3FFF, v11;
	v12 =	vld.idx.msk [tilespmem:v12+s2+$0x0], $0xffff  }
0x79: {  	v11 =	vshrl.u32 v11, $0xE;
	v7 =	vld.idx.msk [tilespmem:v7+s26+$0x0], $0xffff  }
0x7a: {  	v18 =	vld [tilespmem:s22+$0x10];
	v20 =	vand.u32 $0x3FFF, v13  }
0x7b: {  	v21 =	vand.u32 $0x3FFF, v15;
	v14 =	vld.idx.msk [tilespmem:v14+s2+$0x0], $0xffff  }
0x7c: {  	v13 =	vshrl.u32 v13, $0xE;
	v10 =	vld.idx.msk [tilespmem:v10+s26+$0x0], $0xffff;
	v5 =	vadd.f32 v5, v8  }
0x7d: {  	v17 =	vld.idx.msk [tilespmem:v17+s2+$0x0], $0xffff;
	v8 =	vand.u32 $0x3FFF, v19  }
0x7e: {  	v11 =	vld.idx.msk [tilespmem:v11+s26+$0x0], $0xffff;
	v6 =	vadd.f32 v6, v9;
	v7 =	vadd.f32 v7, v12;
	v9 =	vmul.f32 $2.000000030e-01, v5  }
0x7f: {  	v15 =	vshrl.u32 v15, $0xE;
	v20 =	vld.idx.msk [tilespmem:v20+s2+$0x0], $0xffff  }
0x80: {  	v12 =	vld.idx.msk [tilespmem:v21+s2+$0x0], $0xffff;
	v21 =	vmul.f32 $2.000000030e-01, v7;
	v5 =	vmax.f32 v5, v9;
	v9 =	vmul.f32 $2.000000030e-01, v6  }
0x81: {  	s24 =	simm.s32 $0x160D0;
	v13 =	vld.idx.msk [tilespmem:v13+s26+$0x0], $0xffff;
	v10 =	vadd.f32 v10, v14;
	v14 =	vshrl.u32 v16, $0xE;
	v16 =	vand.u32 $0x3FFF, v16  }
0x82: {  	v7 =	vmax.f32 v7, v21;
	v5 =	vmul.f32 $1.442695020e+00, v5;
	v6 =	vmax.f32 v6, v9;
	v9 =	vld [tilespmem:s24+$0x20]  }
0x83: {  	v22 =	vld.idx.msk [tilespmem:v8+s2+$0x0], $0xffff;
	v8 =	vshrl.u32 v19, $0xE;
	v19 =	vmul.f32 $2.000000030e-01, v10;
	v6 =	vmul.f32 $1.442695020e+00, v6  }
0x84: {  	v23 =	vld [tilespmem:s24+$0x10];
	(erf) = vpow2.f32 v5;
	v5 =	vmul.f32 $1.442695020e+00, v7  }
0x85: {  	v15 =	vld.idx.msk [tilespmem:v15+s26+$0x0], $0xffff;
	v17 =	vadd.f32 v11, v17;
	v10 =	vmax.f32 v10, v19;
	(erf) = vpow2.f32 v6  }
0x86: {  	v21 =	vld [tilespmem:s24+$0xFFFFFFF0];
	v6 =	vmul.f32 $1.442695020e+00, v10;
	(erf) = vpow2.f32 v5;
	v5 =	vadd.f32 v13, v20  }
0x87: {  	v24 =	vld [tilespmem:s24+$0xFFFFFFE0];
	v19 =	vand.u32 $0x3FFF, v18;
	v10 =	vshrl.u32 v18, $0xE;
	v13 =	vand.u32 $0x3FFF, v9  }
0x88: {  	(erf) = vpow2.f32 v6;
	v6 =	vshrl.u32 v9, $0xE;
	v9 =	vld.idx.msk [tilespmem:v16+s2+$0x0], $0xffff;
	v16 =	vmul.f32 $2.000000030e-01, v5  }
0x89: {  	v18 =	vld.idx.msk [tilespmem:v8+s26+$0x0], $0xffff;
	v8 =	vmul.f32 $2.000000030e-01, v17  }
0x8a: {  	v25 =	vld.idx.msk [tilespmem:v14+s26+$0x0], $0xffff;
	v26 =	vadd.f32 v15, v12;
	v12 =	vmax.f32 v5, v16  }
0x8b: {  	v7 =	vld [tilespmem:s24+$0x0];
	v20 =	vand.u32 $0x3FFF, v21;
	v8 =	vmax.f32 v17, v8;
	v16 =	vmul.f32 $1.442695020e+00, v12  }
0x8c: {  	v21 =	vshrl.u32 v21, $0xE;
	v11 =	vld.idx.msk [tilespmem:v19+s2+$0x0], $0xffff;
	v19 =	vmul.f32 $1.442695020e+00, v8  }
0x8d: {  	v17 =	vand.u32 $0x3FFF, v24;
	v14 =	vld.idx.msk [tilespmem:v10+s26+$0x0], $0xffff;
	v10 =	vpop (erf);
	(erf) = vpow2.f32 v16  }
0x8e: {  	v18 =	vadd.f32 v18, v22;
	v12 =	vld.idx.msk [tilespmem:v13+s2+$0x0], $0xffff;
	v22 =	vpop (erf);
	(erf) = vpow2.f32 v19  }
0x8f: {  	s19 =	simm.s32 $0x16FD0;
	v27 =	vmul.f32 $2.000000030e-01, v26;
	v15 =	vld.idx.msk [tilespmem:v6+s26+$0x0], $0xffff  }
0x90: {  	v8 =	vand.u32 $0x3FFF, v7;
	v5 =	vshrl.u32 v7, $0xE;
	v7 =	vand.u32 $0x3FFF, v23;
	v13 =	vld.idx.msk [tilespmem:v20+s2+$0x0], $0xffff;
	[tilespmem:s19+$0x20] =	vst v10  }
0x91: {  	s18 =	smul.u32 $0xFA0, s17;
	s22 =	simm.s32 $0xA;
	v20 =	vmax.f32 v26, v27;
	v16 =	vld.idx.msk [tilespmem:v21+s26+$0x0], $0xffff;
	v21 =	vmul.f32 $2.000000030e-01, v18;
	v19 =	vadd.f32 v25, v9;
	[tilespmem:s19+$0xFFFFFFF0] =	vst v22;
	v22 =	vpop (erf)  }
0x92: {  	s21 =	simm.s32 $0x16FD0;
	s24 =	simm.s32 $0x16120;
	v6 =	vshrl.u32 v23, $0xE;
	v10 =	vshrl.u32 v24, $0xE;
	v20 =	vmul.f32 $1.442695020e+00, v20;
	v9 =	vld.idx.msk [tilespmem:v17+s2+$0x0], $0xffff;
	[tilespmem:s19+$0xFFFFFFE0] =	vst v22;
	v17 =	vpop (erf)  }
.LBB2_5:
0x93: {  	v22 =	vld [tilespmem:s24+$0x20];
	v18 =	vmax.f32 v18, v21;
	v21 =	vmul.f32 $2.000000030e-01, v19;
	v11 =	vadd.f32 v14, v11;
	[tilespmem:s19+$0x0] =	vst v17  }
0x94: {  	s22 =	sadd.s32 $0x5, s22;
	v14 =	vld [tilespmem:s24+$0xFFFFFFF0];
	v23 =	vmul.f32 $1.442695020e+00, v18;
	(erf) = vpow2.f32 v20  }
0x95: {  	p1 =	slt.u32 s22, $0x78;
	v12 =	vadd.f32 v15, v12;
	v18 =	vld [tilespmem:s24+$0x0];
	v15 =	vmax.f32 v19, v21;
	v19 =	vmul.f32 $2.000000030e-01, v11  }
0x96: {  	s19 =	sadd.s32 $0x50, s19;
	v20 =	vld [tilespmem:s24+$0x10];
	v15 =	vmul.f32 $1.442695020e+00, v15;
	(erf) = vpow2.f32 v23;
	v17 =	vpop (erf)  }
0x97: {  	v16 =	vadd.f32 v16, v13;
	v13 =	vmul.f32 $2.000000030e-01, v12;
	v21 =	vld [tilespmem:s24+$0xFFFFFFE0];
	v11 =	vmax.f32 v11, v19;
	[tilespmem:s19+$0x20] =	vst v17;
	v17 =	vpop (erf)  }
0x98: {  	v19 =	vand.u32 $0x3FFF, v22;
	v23 =	vld.idx.msk [tilespmem:v10+s26+$0x0], $0xffff;
	v24 =	vmul.f32 $1.442695020e+00, v11;
	(erf) = vpow2.f32 v15;
	[tilespmem:s21+$0x10] =	vst v17;
	s21 =	smov.u32 s19  }
0x99: {  	v15 =	vshrl.u32 v22, $0xE;
	v17 =	vshrl.u32 v14, $0xE;
	v22 =	vld.idx.msk [tilespmem:v8+s2+$0x0], $0xffff;
	v8 =	vmax.f32 v12, v13  }
0x9a: {  	v13 =	vand.u32 $0x3FFF, v14;
	v25 =	vld.idx.msk [tilespmem:v5+s26+$0x0], $0xffff;
	v5 =	vshrl.u32 v18, $0xE;
	v12 =	vmul.f32 $1.442695020e+00, v8  }
0x9b: {  	v8 =	vand.u32 $0x3FFF, v18;
	v18 =	vshrl.u32 v20, $0xE;
	v11 =	vld.idx.msk [tilespmem:v7+s2+$0x0], $0xffff;
	v7 =	vand.u32 $0x3FFF, v20  }
0x9c: {  	v10 =	vshrl.u32 v21, $0xE;
	v26 =	vand.u32 $0x3FFF, v21;
	v14 =	vld.idx.msk [tilespmem:v6+s26+$0x0], $0xffff;
	(erf) = vpow2.f32 v12;
	v6 =	vmovc v18  }
.Ltmp1:
0x9d: {  	v12 =	vld.idx.msk [tilespmem:v19+s2+$0x0], $0xffff;
	v19 =	vmul.f32 $2.000000030e-01, v16;
	v20 =	vpop (erf);
	(erf) = vpow2.f32 v24;
	(pc) =	sbr.rel @p1 .LBB2_5-.Ltmp1, $4  }
0x9e: {  	v18 =	vadd.f32 v23, v9;
	v15 =	vld.idx.msk [tilespmem:v15+s26+$0x0], $0xffff;
	[tilespmem:s19+$0xFFFFFFF0] =	vst v20  }
0x9f: {  	v13 =	vld.idx.msk [tilespmem:v13+s2+$0x0], $0xffff;
	v9 =	vmax.f32 v16, v19;
	v23 =	vpop (erf)  }
0xa0: {  	v21 =	vmul.f32 $2.000000030e-01, v18;
	v19 =	vadd.f32 v25, v22;
	v16 =	vld.idx.msk [tilespmem:v17+s26+$0x0], $0xffff;
	v20 =	vmul.f32 $1.442695020e+00, v9;
	[tilespmem:s19+$0xFFFFFFE0] =	vst v23  }
0xa1: {  	s24 =	sadd.s32 $0x50, s24;
	v9 =	vld.idx.msk [tilespmem:v26+s2+$0x0], $0xffff;
	v17 =	vpop (erf)  }
0xa2: {  	_ =	sdelay $0x3  }
0xa3: {  	v10 =	vld.idx.msk [tilespmem:v10+s26+$0x0], $0xffff  }
0xa4: {  	v8 =	vld.idx.msk [tilespmem:v8+s2+$0x0], $0xffff  }
0xa5: {  	v54 =	vmul.f32 $2.000000030e-01, v19;
	v11 =	vadd.f32 v14, v11;
	v5 =	vld.idx.msk [tilespmem:v5+s26+$0x0], $0xffff  }
0xa6: {  	v18 =	vmax.f32 v18, v21;
	v7 =	vld.idx.msk [tilespmem:v7+s2+$0x0], $0xffff;
	(erf) = vpow2.f32 v20  }
0xa7: {  	v6 =	vld.idx.msk [tilespmem:v6+s26+$0x0], $0xffff;
	v12 =	vadd.f32 v15, v12;
	v56 =	vmax.f32 v19, v54;
	v57 =	vmul.f32 $2.000000030e-01, v11  }
0xa8: {  	v55 =	vmul.f32 $1.442695020e+00, v18;
	v15 =	vmul.f32 $1.442695020e+00, v56  }
0xa9: {  	v58 =	vmul.f32 $2.000000030e-01, v12;
	v13 =	vadd.f32 v16, v13;
	v11 =	vmax.f32 v11, v57  }
0xaa: {  	(erf) = vpow2.f32 v55;
	v11 =	vmul.f32 $1.442695020e+00, v11  }
0xab: {  	v12 =	vmax.f32 v12, v58;
	v9 =	vadd.f32 v10, v9;
	v60 =	vmul.f32 $2.000000030e-01, v13  }
0xac: {  	v5 =	vadd.f32 v5, v8;
	(erf) = vpow2.f32 v15;
	v6 =	vadd.f32 v6, v7  }
0xad: {  	v59 =	vmul.f32 $1.442695020e+00, v12;
	v61 =	vmul.f32 $2.000000030e-01, v9  }
0xae: {  	v7 =	vmax.f32 v13, v60;
	v62 =	vmul.f32 $2.000000030e-01, v5;
	v63 =	vmul.f32 $2.000000030e-01, v6  }
0xaf: {  	(erf) = vpow2.f32 v59;
	v7 =	vmul.f32 $1.442695020e+00, v7  }
0xb0: {  	v8 =	vmax.f32 v9, v61;
	(erf) = vpow2.f32 v11;
	v5 =	vmax.f32 v5, v62  }
0xb1: {  	v6 =	vmax.f32 v6, v63;
	v8 =	vmul.f32 $1.442695020e+00, v8;
	v5 =	vmul.f32 $1.442695020e+00, v5  }
0xb2: {  	(erf) = vpow2.f32 v7;
	v6 =	vmul.f32 $1.442695020e+00, v6  }
0xb3: {  	(erf) = vpow2.f32 v8  }
0xb4: {  	[tilespmem:s19+$0x0] =	vst v17;
	s24 =	sadd.s32 $0x50, s19;
	v7 =	vpop (erf);
	(erf) = vpow2.f32 v5  }
0xb5: {  	[tilespmem:s24+$0x20] =	vst v7;
	v5 =	vpop (erf);
	(erf) = vpow2.f32 v6  }
0xb6: {  	v6 =	vpop (erf);
	[tilespmem:s21+$0x10] =	vst v5  }
0xb7: {  	v5 =	vpop (erf);
	[tilespmem:s24+$0xFFFFFFF0] =	vst v6  }
0xb8: {  	v6 =	vpop (erf);
	[tilespmem:s24+$0xFFFFFFE0] =	vst v5  }
0xb9: {  	s22 =	sadd.s32 $0x50, s24;
	v5 =	vpop (erf);
	[tilespmem:s24+$0x0] =	vst v6  }
0xba: {  	v6 =	vpop (erf);
	[tilespmem:s22+$0x20] =	vst v5  }
0xbb: {  	p1 =	sne.s32 s17, $0x4;
	[tilespmem:s24+$0x10] =	vst v6;
	v5 =	vpop (erf)  }
.Ltmp2:
0xbc: {  	[tilespmem:s22+$0xFFFFFFF0] =	vst v5;
	v5 =	vpop (erf);
	(pc) =	sbr.rel @p1 .LBB2_8-.Ltmp2, $4  }
0xbd: {  	s24 =	sadd.s32 s12, s18;
	[tilespmem:s22+$0xFFFFFFE0] =	vst v5;
	v5 =	vpop (erf)  }
0xbe: {  	s19 =	sshrl.u32 s24, $0x3;
	[tilespmem:s22+$0x0] =	vst v5;
	v5 =	vpop (erf)  }
0xbf: {  	s19 =	sadd.s32 s7, s19;
	[tilespmem:s22+$0x10] =	vst v5  }
0xc0: {  	[hbm4b:s19+s2] =	stream.linear.scatter [tilespmem:s1], [sflag:$0x3], $0x7D0, $0x38;
	[tilespmem:$0x17F50] =	vst v63  }
.Ltmp3:
0xc1: {  	(pc) =	sbr.rel .LBB2_9-.Ltmp3, $4  }
0xc2: {  	_ = 	snop  }
0xc3: {  	_ =	swait.ge [sflag:s29], $0x7D0  }
0xc4: {  	[sflag:s29] =	ssyncset.done $0x0  }
0xc5: {  	[sflag:s29] =	ssyncadd.s32 $0xFFFFF830  }
.LBB2_8:
0xc6: {  	s19 =	sadd.s32 s18, s13  }
0xc7: {  	s19 =	sshrl.u32 s19, $0x3  }
.Ltmp4:
0xc8: {  	s19 =	sadd.s32 s4, s19;
	(pc) =	sbr.rel @p0 .LBB2_10-.Ltmp4, $4  }
0xc9: {  	[tilespmem:s31], [sflag:$0x1] =	stream.linear.gather [hbm4b:s19+s2], $0x7D0, $0x38;
	[tilespmem:$0x17F50] =	vst v63  }
0xca: {  	_ =	swait.ge [sflag:s29], $0x7D0  }
0xcb: {  	[sflag:s29] =	ssyncset.done $0x0  }
0xcc: {  	[sflag:s29] =	ssyncadd.s32 $0xFFFFF830  }
.LBB2_9:
0xcd: {  	_ =	swait.ge [sflag:s5], $0x7D0  }
0xce: {  	[sflag:s5] =	ssyncset.done $0x0  }
0xcf: {  	[sflag:s5] =	ssyncadd.s32 $0xFFFFF830  }
.LBB2_10:
0xd0: {  	s19 =	simm.s32 $0x16820  }
0xd1: {  	v5 =	vld [tilespmem:s19+$0x0];
	_ =	sdelay $0x1  }
0xd2: {  	v6 =	vld [tilespmem:s19+$0xFFFFFFD0]  }
0xd3: {  	v7 =	vld [tilespmem:s19+$0xFFFFFFC0]  }
0xd4: {  	v10 =	vld [tilespmem:s19+$0xFFFFFFE0]  }
0xd5: {  	s22 =	simm.s32 $0x16870;
	v11 =	vld [tilespmem:s19+$0xFFFFFFF0];
	v8 =	vand.u32 $0x3FFF, v5  }
0xd6: {  	v13 =	vld [tilespmem:s22+$0x0];
	v5 =	vshrl.u32 v5, $0xE  }
0xd7: {  	v15 =	vld [tilespmem:s22+$0xFFFFFFD0];
	v9 =	vand.u32 $0x3FFF, v6  }
0xd8: {  	v16 =	vld [tilespmem:s22+$0xFFFFFFE0];
	v6 =	vshrl.u32 v6, $0xE  }
0xd9: {  	v19 =	vld [tilespmem:s22+$0xFFFFFFC0];
	v12 =	vand.u32 $0x3FFF, v7  }
0xda: {  	v7 =	vshrl.u32 v7, $0xE;
	v8 =	vld.idx.msk [tilespmem:v8+s2+$0x0], $0xffff  }
0xdb: {  	v5 =	vld.idx.msk [tilespmem:v5+s26+$0x0], $0xffff  }
0xdc: {  	v14 =	vand.u32 $0x3FFF, v10;
	v9 =	vld.idx.msk [tilespmem:v9+s2+$0x0], $0xffff  }
0xdd: {  	v10 =	vshrl.u32 v10, $0xE;
	v6 =	vld.idx.msk [tilespmem:v6+s26+$0x0], $0xffff  }
0xde: {  	v17 =	vand.u32 $0x3FFF, v11;
	v12 =	vld.idx.msk [tilespmem:v12+s2+$0x0], $0xffff  }
0xdf: {  	v11 =	vshrl.u32 v11, $0xE;
	v7 =	vld.idx.msk [tilespmem:v7+s26+$0x0], $0xffff  }
0xe0: {  	v18 =	vld [tilespmem:s22+$0xFFFFFFF0];
	v20 =	vand.u32 $0x3FFF, v13  }
0xe1: {  	v21 =	vand.u32 $0x3FFF, v15;
	v14 =	vld.idx.msk [tilespmem:v14+s2+$0x0], $0xffff  }
0xe2: {  	v13 =	vshrl.u32 v13, $0xE;
	v10 =	vld.idx.msk [tilespmem:v10+s26+$0x0], $0xffff;
	v5 =	vadd.f32 v5, v8  }
0xe3: {  	v17 =	vld.idx.msk [tilespmem:v17+s2+$0x0], $0xffff;
	v8 =	vand.u32 $0x3FFF, v19  }
0xe4: {  	v11 =	vld.idx.msk [tilespmem:v11+s26+$0x0], $0xffff;
	v6 =	vadd.f32 v6, v9;
	v7 =	vadd.f32 v7, v12;
	v9 =	vmul.f32 $2.000000030e-01, v5  }
0xe5: {  	v15 =	vshrl.u32 v15, $0xE;
	v20 =	vld.idx.msk [tilespmem:v20+s2+$0x0], $0xffff  }
0xe6: {  	v12 =	vld.idx.msk [tilespmem:v21+s2+$0x0], $0xffff;
	v21 =	vmul.f32 $2.000000030e-01, v7;
	v5 =	vmax.f32 v5, v9;
	v9 =	vmul.f32 $2.000000030e-01, v6  }
0xe7: {  	s24 =	simm.s32 $0x168C0;
	v13 =	vld.idx.msk [tilespmem:v13+s26+$0x0], $0xffff;
	v10 =	vadd.f32 v10, v14;
	v14 =	vshrl.u32 v16, $0xE;
	v16 =	vand.u32 $0x3FFF, v16  }
0xe8: {  	v7 =	vmax.f32 v7, v21;
	v5 =	vmul.f32 $1.442695020e+00, v5;
	v6 =	vmax.f32 v6, v9;
	v9 =	vld [tilespmem:s24+$0x0]  }
0xe9: {  	v22 =	vld.idx.msk [tilespmem:v8+s2+$0x0], $0xffff;
	v8 =	vshrl.u32 v19, $0xE;
	v19 =	vmul.f32 $2.000000030e-01, v10;
	v6 =	vmul.f32 $1.442695020e+00, v6  }
0xea: {  	v23 =	vld [tilespmem:s24+$0xFFFFFFF0];
	(erf) = vpow2.f32 v5;
	v5 =	vmul.f32 $1.442695020e+00, v7  }
0xeb: {  	v15 =	vld.idx.msk [tilespmem:v15+s26+$0x0], $0xffff;
	v17 =	vadd.f32 v11, v17;
	v10 =	vmax.f32 v10, v19;
	(erf) = vpow2.f32 v6  }
0xec: {  	v21 =	vld [tilespmem:s24+$0xFFFFFFD0];
	v6 =	vmul.f32 $1.442695020e+00, v10;
	(erf) = vpow2.f32 v5;
	v5 =	vadd.f32 v13, v20  }
0xed: {  	v24 =	vld [tilespmem:s24+$0xFFFFFFC0];
	v19 =	vand.u32 $0x3FFF, v18;
	v10 =	vshrl.u32 v18, $0xE;
	v13 =	vand.u32 $0x3FFF, v9  }
0xee: {  	(erf) = vpow2.f32 v6;
	v6 =	vshrl.u32 v9, $0xE;
	v9 =	vld.idx.msk [tilespmem:v16+s2+$0x0], $0xffff;
	v16 =	vmul.f32 $2.000000030e-01, v5  }
0xef: {  	v18 =	vld.idx.msk [tilespmem:v8+s26+$0x0], $0xffff;
	v8 =	vmul.f32 $2.000000030e-01, v17  }
0xf0: {  	v25 =	vld.idx.msk [tilespmem:v14+s26+$0x0], $0xffff;
	v26 =	vadd.f32 v15, v12;
	v12 =	vmax.f32 v5, v16  }
0xf1: {  	v7 =	vld [tilespmem:s24+$0xFFFFFFE0];
	v20 =	vand.u32 $0x3FFF, v21;
	v8 =	vmax.f32 v17, v8;
	v16 =	vmul.f32 $1.442695020e+00, v12  }
0xf2: {  	v21 =	vshrl.u32 v21, $0xE;
	v11 =	vld.idx.msk [tilespmem:v19+s2+$0x0], $0xffff;
	v19 =	vmul.f32 $1.442695020e+00, v8  }
0xf3: {  	v17 =	vand.u32 $0x3FFF, v24;
	v14 =	vld.idx.msk [tilespmem:v10+s26+$0x0], $0xffff;
	v10 =	vpop (erf);
	(erf) = vpow2.f32 v16  }
0xf4: {  	v18 =	vadd.f32 v18, v22;
	v12 =	vld.idx.msk [tilespmem:v13+s2+$0x0], $0xffff;
	v22 =	vpop (erf);
	(erf) = vpow2.f32 v19  }
0xf5: {  	s19 =	simm.s32 $0x177C0;
	v27 =	vmul.f32 $2.000000030e-01, v26;
	v15 =	vld.idx.msk [tilespmem:v6+s26+$0x0], $0xffff  }
0xf6: {  	v8 =	vand.u32 $0x3FFF, v7;
	v5 =	vshrl.u32 v7, $0xE;
	v7 =	vand.u32 $0x3FFF, v23;
	v13 =	vld.idx.msk [tilespmem:v20+s2+$0x0], $0xffff;
	[tilespmem:s19+$0x0] =	vst v10  }
0xf7: {  	s21 =	simm.s32 $0x177C0;
	v20 =	vmax.f32 v26, v27;
	v16 =	vld.idx.msk [tilespmem:v21+s26+$0x0], $0xffff;
	v21 =	vmul.f32 $2.000000030e-01, v18;
	v19 =	vadd.f32 v25, v9;
	[tilespmem:s19+$0xFFFFFFD0] =	vst v22;
	v22 =	vpop (erf)  }
0xf8: {  	s22 =	simm.s32 $0xA;
	s24 =	simm.s32 $0x16910;
	v6 =	vshrl.u32 v23, $0xE;
	v10 =	vshrl.u32 v24, $0xE;
	v20 =	vmul.f32 $1.442695020e+00, v20;
	v9 =	vld.idx.msk [tilespmem:v17+s2+$0x0], $0xffff;
	[tilespmem:s19+$0xFFFFFFC0] =	vst v22;
	v17 =	vpop (erf)  }
.LBB2_11:
0xf9: {  	v22 =	vld [tilespmem:s24+$0x0];
	v18 =	vmax.f32 v18, v21;
	v21 =	vmul.f32 $2.000000030e-01, v19;
	v11 =	vadd.f32 v14, v11;
	[tilespmem:s19+$0xFFFFFFE0] =	vst v17  }
0xfa: {  	s22 =	sadd.s32 $0x5, s22;
	v14 =	vld [tilespmem:s24+$0xFFFFFFD0];
	v23 =	vmul.f32 $1.442695020e+00, v18;
	(erf) = vpow2.f32 v20  }
0xfb: {  	p0 =	slt.u32 s22, $0x78;
	v12 =	vadd.f32 v15, v12;
	v18 =	vld [tilespmem:s24+$0xFFFFFFE0];
	v15 =	vmax.f32 v19, v21;
	v19 =	vmul.f32 $2.000000030e-01, v11  }
0xfc: {  	s19 =	sadd.s32 $0x50, s19;
	v20 =	vld [tilespmem:s24+$0xFFFFFFF0];
	v15 =	vmul.f32 $1.442695020e+00, v15;
	(erf) = vpow2.f32 v23;
	v17 =	vpop (erf)  }
0xfd: {  	v16 =	vadd.f32 v16, v13;
	v13 =	vmul.f32 $2.000000030e-01, v12;
	v21 =	vld [tilespmem:s24+$0xFFFFFFC0];
	v11 =	vmax.f32 v11, v19;
	[tilespmem:s19+$0x0] =	vst v17;
	v17 =	vpop (erf)  }
0xfe: {  	v19 =	vand.u32 $0x3FFF, v22;
	v23 =	vld.idx.msk [tilespmem:v10+s26+$0x0], $0xffff;
	v24 =	vmul.f32 $1.442695020e+00, v11;
	(erf) = vpow2.f32 v15;
	[tilespmem:s21+$0xFFFFFFF0] =	vst v17;
	s21 =	smov.u32 s19  }
0xff: {  	v15 =	vshrl.u32 v22, $0xE;
	v17 =	vshrl.u32 v14, $0xE;
	v22 =	vld.idx.msk [tilespmem:v8+s2+$0x0], $0xffff;
	v8 =	vmax.f32 v12, v13  }
0x100: {  	v13 =	vand.u32 $0x3FFF, v14;
	v25 =	vld.idx.msk [tilespmem:v5+s26+$0x0], $0xffff;
	v5 =	vshrl.u32 v18, $0xE;
	v12 =	vmul.f32 $1.442695020e+00, v8  }
0x101: {  	v8 =	vand.u32 $0x3FFF, v18;
	v18 =	vshrl.u32 v20, $0xE;
	v11 =	vld.idx.msk [tilespmem:v7+s2+$0x0], $0xffff;
	v7 =	vand.u32 $0x3FFF, v20  }
0x102: {  	v10 =	vshrl.u32 v21, $0xE;
	v26 =	vand.u32 $0x3FFF, v21;
	v14 =	vld.idx.msk [tilespmem:v6+s26+$0x0], $0xffff;
	(erf) = vpow2.f32 v12;
	v6 =	vmovc v18  }
.Ltmp5:
0x103: {  	v12 =	vld.idx.msk [tilespmem:v19+s2+$0x0], $0xffff;
	v19 =	vmul.f32 $2.000000030e-01, v16;
	v20 =	vpop (erf);
	(erf) = vpow2.f32 v24;
	(pc) =	sbr.rel @p0 .LBB2_11-.Ltmp5, $4  }
0x104: {  	v18 =	vadd.f32 v23, v9;
	v15 =	vld.idx.msk [tilespmem:v15+s26+$0x0], $0xffff;
	[tilespmem:s19+$0xFFFFFFD0] =	vst v20  }
0x105: {  	v13 =	vld.idx.msk [tilespmem:v13+s2+$0x0], $0xffff;
	v9 =	vmax.f32 v16, v19;
	v23 =	vpop (erf)  }
0x106: {  	v21 =	vmul.f32 $2.000000030e-01, v18;
	v19 =	vadd.f32 v25, v22;
	v16 =	vld.idx.msk [tilespmem:v17+s26+$0x0], $0xffff;
	v20 =	vmul.f32 $1.442695020e+00, v9;
	[tilespmem:s19+$0xFFFFFFC0] =	vst v23  }
0x107: {  	s24 =	sadd.s32 $0x50, s24;
	v9 =	vld.idx.msk [tilespmem:v26+s2+$0x0], $0xffff;
	v17 =	vpop (erf)  }
0x108: {  	_ =	sdelay $0x3  }
0x109: {  	v10 =	vld.idx.msk [tilespmem:v10+s26+$0x0], $0xffff  }
0x10a: {  	v8 =	vld.idx.msk [tilespmem:v8+s2+$0x0], $0xffff  }
0x10b: {  	v54 =	vmul.f32 $2.000000030e-01, v19;
	v11 =	vadd.f32 v14, v11;
	v5 =	vld.idx.msk [tilespmem:v5+s26+$0x0], $0xffff  }
0x10c: {  	v18 =	vmax.f32 v18, v21;
	v7 =	vld.idx.msk [tilespmem:v7+s2+$0x0], $0xffff;
	(erf) = vpow2.f32 v20  }
0x10d: {  	v6 =	vld.idx.msk [tilespmem:v6+s26+$0x0], $0xffff;
	v12 =	vadd.f32 v15, v12;
	v56 =	vmax.f32 v19, v54;
	v57 =	vmul.f32 $2.000000030e-01, v11  }
0x10e: {  	v55 =	vmul.f32 $1.442695020e+00, v18;
	v15 =	vmul.f32 $1.442695020e+00, v56  }
0x10f: {  	v58 =	vmul.f32 $2.000000030e-01, v12;
	v13 =	vadd.f32 v16, v13;
	v11 =	vmax.f32 v11, v57  }
0x110: {  	(erf) = vpow2.f32 v55;
	v11 =	vmul.f32 $1.442695020e+00, v11  }
0x111: {  	v12 =	vmax.f32 v12, v58;
	v9 =	vadd.f32 v10, v9;
	v60 =	vmul.f32 $2.000000030e-01, v13  }
0x112: {  	v5 =	vadd.f32 v5, v8;
	(erf) = vpow2.f32 v15;
	v6 =	vadd.f32 v6, v7  }
0x113: {  	v59 =	vmul.f32 $1.442695020e+00, v12;
	v61 =	vmul.f32 $2.000000030e-01, v9  }
0x114: {  	v7 =	vmax.f32 v13, v60;
	v62 =	vmul.f32 $2.000000030e-01, v5;
	v63 =	vmul.f32 $2.000000030e-01, v6  }
0x115: {  	(erf) = vpow2.f32 v59;
	v7 =	vmul.f32 $1.442695020e+00, v7  }
0x116: {  	v8 =	vmax.f32 v9, v61;
	(erf) = vpow2.f32 v11;
	v5 =	vmax.f32 v5, v62  }
0x117: {  	v6 =	vmax.f32 v6, v63;
	v8 =	vmul.f32 $1.442695020e+00, v8;
	v5 =	vmul.f32 $1.442695020e+00, v5  }
0x118: {  	(erf) = vpow2.f32 v7;
	v6 =	vmul.f32 $1.442695020e+00, v6  }
0x119: {  	(erf) = vpow2.f32 v8  }
0x11a: {  	[tilespmem:s19+$0xFFFFFFE0] =	vst v17;
	s24 =	sadd.s32 $0x50, s19;
	v7 =	vpop (erf);
	(erf) = vpow2.f32 v5  }
0x11b: {  	[tilespmem:s24+$0x0] =	vst v7;
	v5 =	vpop (erf);
	(erf) = vpow2.f32 v6  }
0x11c: {  	v6 =	vpop (erf);
	[tilespmem:s21+$0xFFFFFFF0] =	vst v5  }
0x11d: {  	v5 =	vpop (erf);
	[tilespmem:s24+$0xFFFFFFD0] =	vst v6  }
0x11e: {  	v6 =	vpop (erf);
	[tilespmem:s24+$0xFFFFFFC0] =	vst v5  }
0x11f: {  	s22 =	sadd.s32 $0x50, s24;
	v5 =	vpop (erf);
	[tilespmem:s24+$0xFFFFFFE0] =	vst v6  }
0x120: {  	v6 =	vpop (erf);
	[tilespmem:s22+$0x0] =	vst v5  }
0x121: {  	p0 =	seq.s32 s17, $0x4;
	[tilespmem:s24+$0xFFFFFFF0] =	vst v6;
	v5 =	vpop (erf)  }
.Ltmp6:
0x122: {  	[tilespmem:s22+$0xFFFFFFD0] =	vst v5;
	v5 =	vpop (erf);
	(pc) =	sbr.rel @p0 .LBB2_14-.Ltmp6, $4  }
0x123: {  	s24 =	sadd.s32 s18, s23;
	[tilespmem:s22+$0xFFFFFFC0] =	vst v5;
	v5 =	vpop (erf)  }
0x124: {  	s19 =	sshrl.u32 s24, $0x3;
	[tilespmem:s22+$0xFFFFFFE0] =	vst v5;
	v5 =	vpop (erf)  }
0x125: {  	s19 =	sadd.s32 s7, s19;
	[tilespmem:s22+$0xFFFFFFF0] =	vst v5  }
0x126: {  	[hbm4b:s19+s2] =	stream.linear.scatter [tilespmem:s6], [sflag:$0x4], $0x7D0, $0x38;
	[tilespmem:$0x17F50] =	vst v63  }
.Ltmp7:
0x127: {  	(pc) =	sbr.rel .LBB2_4-.Ltmp7, $4  }
0x128: {  	s18 =	sadd.s32 s18, s14  }
0x129: {  	s18 =	sshrl.u32 s18, $0x3  }
0x12a: {  	s17 =	sadd.s32 $0x1, s17;
	s18 =	sadd.s32 s4, s18  }
0x12b: {  	[tilespmem:s0], [sflag:$0x2] =	stream.linear.gather [hbm4b:s18+s2], $0x7D0, $0x38;
	[tilespmem:$0x17F50] =	vst v63  }
.LBB2_14:
0x12c: {  	_ =	swait.ge [sflag:s8], $0x7D0  }
0x12d: {  	[sflag:s8] =	ssyncset.done $0x0  }
0x12e: {  	[sflag:s8] =	ssyncadd.s32 $0xFFFFF830  }
0x12f: {  	_ =	swait.ge [sflag:s5], $0x7D0  }
0x130: {  	[sflag:s5] =	ssyncset.done $0x0  }
0x131: {  	[sflag:s5] =	ssyncadd.s32 $0xFFFFF830  }
0x132: {  	s17 =	simm.s32 $0x0;
	[bflag:$0x0] =	sbarrier.arrive $0xFFFF  }
0x133: {  	[tilespmem:s31], [sflag:$0x1] =	stream.linear.gather [hbm4b:s4+s17], $0x7D0, $0x38;
	[tilespmem:$0x17F50] =	vst v63  }
0x134: {  	s18 =	rddreg [dreg:$0x8]  }
0x135: {  	[tilespmem:s0], [sflag:$0x2] =	stream.linear.gather [hbm4b:s18+s17], $0x7D0, $0x38;
	[tilespmem:$0x17F50] =	vst v63  }
0x136: {  	_ = 	snop  }
0x137: {  	[tilespmem:s1], [sflag:$0x3] =	stream.linear.gather [hbm4b:s20+s17], $0x7D0, $0x38;
	[tilespmem:$0x17F50] =	vst v63  }
0x138: {  	s24 =	rddreg [dreg:$0xf]  }
0x139: {  	[tilespmem:s6], [sflag:$0x4] =	stream.linear.gather [hbm4b:s24+s17], $0x7D0, $0x38;
	[tilespmem:$0x17F50] =	vst v63  }
.LBB2_15:
0x13a: {  	_ =	swait.ge [sflag:s3], $0x7D0  }
0x13b: {  	[sflag:s3] =	ssyncset.done $0x0  }
0x13c: {  	[sflag:s3] =	ssyncadd.s32 $0xFFFFF830  }
0x13d: {  	_ =	swait.ge [sflag:s8], $0x7D0  }
0x13e: {  	[sflag:s8] =	ssyncset.done $0x0  }
0x13f: {  	s19 =	simm.s32 $0x16030;
	[sflag:s8] =	ssyncadd.s32 $0xFFFFF830  }
0x140: {  	v5 =	vld [tilespmem:s19+$0x20]  }
0x141: {  	v8 =	vld [tilespmem:s19+$0xFFFFFFF0]  }
0x142: {  	v9 =	vld [tilespmem:s19+$0x0]  }
0x143: {  	v10 =	vld [tilespmem:s19+$0x10]  }
0x144: {  	s18 =	simm.s32 $0x16FD0;
	v11 =	vld [tilespmem:s19+$0xFFFFFFE0]  }
0x145: {  	v15 =	vld [tilespmem:s18+$0x20];
	v16 =	vshrl.u32 v5, $0xE  }
0x146: {  	v7 =	vld [tilespmem:s18+$0xFFFFFFF0];
	v13 =	vshrl.u32 v8, $0xE  }
0x147: {  	v18 =	vld [tilespmem:s18+$0xFFFFFFE0];
	v12 =	vand.u32 $0x3FFF, v5  }
0x148: {  	v6 =	vld [tilespmem:s18+$0x0];
	v17 =	vshrl.u32 v9, $0xE  }
0x149: {  	v14 =	vshrl.u32 v11, $0xE;
	v5 =	vld [tilespmem:s18+$0x10]  }
0x14a: {  	v11 =	vand.u32 $0x3FFF, v11;
	[tilespmem:v16+s10+$0x0] =	vst.idx.add.f32.msk $0xffff, v15  }
0x14b: {  	v19 =	vshrl.u32 v10, $0xE;
	[tilespmem:v13+s10+$0x0] =	vst.idx.add.f32.msk $0xffff, v7  }
0x14c: {  	v8 =	vand.u32 $0x3FFF, v8;
	v20 =	vld.idx.msk [tilespmem:v12+s28+$0x0], $0xffff  }
0x14d: {  	v9 =	vand.u32 $0x3FFF, v9;
	[tilespmem:v17+s10+$0x0] =	vst.idx.add.f32.msk $0xffff, v6  }
0x14e: {  	v10 =	vand.u32 $0x3FFF, v10;
	[tilespmem:v14+s10+$0x0] =	vst.idx.add.f32.msk $0xffff, v18  }
0x14f: {  	v21 =	vld.idx.msk [tilespmem:v11+s28+$0x0], $0xffff  }
0x150: {  	v22 =	vadd.s32 $0x2710, v16;
	[tilespmem:v19+s10+$0x0] =	vst.idx.add.f32.msk $0xffff, v5  }
0x151: {  	v23 =	vld.idx.msk [tilespmem:v8+s28+$0x0], $0xffff;
	v12 =	vadd.s32 $0x2710, v12;
	v24 =	vshll.u32 v20, $0x10  }
0x152: {  	v25 =	vld.idx.msk [tilespmem:v9+s28+$0x0], $0xffff;
	v20 =	vand.u32 $0xFFFF0000, v20;
	v24 =	vmul.f32 v24, v15  }
0x153: {  	v26 =	vadd.s32 $0x2710, v14;
	v27 =	vld.idx.msk [tilespmem:v10+s28+$0x0], $0xffff;
	v20 =	vmul.f32 v20, v15  }
0x154: {  	v58 =	vshll.u32 v21, $0x10;
	[tilespmem:v16+s15+$0x0] =	vst.idx.add.f32.msk $0xffff, v24  }
0x155: {  	v28 =	vadd.s32 $0x2710, v13;
	[tilespmem:v22+s15+$0x0] =	vst.idx.add.f32.msk $0xffff, v20;
	v20 =	vand.u32 $0xFFFF0000, v21;
	v21 =	vmul.f32 v58, v18  }
0x156: {  	v22 =	vld.idx.msk [tilespmem:v12+s28+$0x0], $0xffff;
	v12 =	vshll.u32 v23, $0x10;
	v20 =	vmul.f32 v20, v18  }
0x157: {  	v8 =	vadd.s32 $0x2710, v8;
	v23 =	vand.u32 $0xFFFF0000, v23;
	[tilespmem:v14+s15+$0x0] =	vst.idx.add.f32.msk $0xffff, v21;
	v12 =	vmul.f32 v12, v7  }
0x158: {  	v21 =	vshll.u32 v25, $0x10;
	[tilespmem:v26+s15+$0x0] =	vst.idx.add.f32.msk $0xffff, v20;
	v20 =	vmul.f32 v23, v7  }
0x159: {  	v23 =	vadd.s32 $0x2710, v19;
	v21 =	vmul.f32 v21, v6;
	[tilespmem:v13+s15+$0x0] =	vst.idx.add.f32.msk $0xffff, v12  }
0x15a: {  	v11 =	vadd.s32 $0x2710, v11;
	v12 =	vshll.u32 v27, $0x10;
	[tilespmem:v28+s15+$0x0] =	vst.idx.add.f32.msk $0xffff, v20  }
0x15b: {  	v59 =	vadd.s32 $0x2710, v17;
	v20 =	vand.u32 $0xFFFF0000, v27;
	v12 =	vmul.f32 v12, v5;
	[tilespmem:v17+s15+$0x0] =	vst.idx.add.f32.msk $0xffff, v21  }
0x15c: {  	v9 =	vadd.s32 $0x2710, v9;
	v20 =	vmul.f32 v20, v5;
	v61 =	vld.idx.msk [tilespmem:v8+s28+$0x0], $0xffff  }
0x15d: {  	v25 =	vand.u32 $0xFFFF0000, v25;
	v21 =	vadd.s32 $0x2710, v10;
	[tilespmem:v19+s15+$0x0] =	vst.idx.add.f32.msk $0xffff, v12  }
0x15e: {  	v25 =	vmul.f32 v25, v6;
	[tilespmem:v23+s15+$0x0] =	vst.idx.add.f32.msk $0xffff, v20  }
0x15f: {  	v60 =	vadd.s32 $0x4E20, v16;
	v23 =	vld.idx.msk [tilespmem:v11+s28+$0x0], $0xffff  }
0x160: {  	v16 =	vadd.s32 $0x7530, v16;
	v10 =	vadd.s32 $0x7530, v17;
	[tilespmem:v59+s15+$0x0] =	vst.idx.add.f32.msk $0xffff, v25;
	v8 =	vadd.s32 $0x4E20, v17  }
0x161: {  	v17 =	vshll.u32 v22, $0x10;
	v12 =	vadd.s32 $0x4E20, v13;
	v13 =	vadd.s32 $0x7530, v13;
	v62 =	vld.idx.msk [tilespmem:v9+s28+$0x0], $0xffff  }
0x162: {  	v9 =	vadd.s32 $0x4E20, v19;
	v17 =	vmul.f32 v17, v15;
	v20 =	vadd.s32 $0x4E20, v14;
	v63 =	vld.idx.msk [tilespmem:v21+s28+$0x0], $0xffff  }
0x163: {  	v14 =	vadd.s32 $0x7530, v14;
	v11 =	vadd.s32 $0x7530, v19;
	v19 =	vand.u32 $0xFFFF0000, v22  }
0x164: {  	v15 =	vmul.f32 v19, v15;
	v22 =	vshll.u32 v61, $0x10;
	v19 =	vshll.u32 v23, $0x10  }
0x165: {  	[tilespmem:v60+s15+$0x0] =	vst.idx.add.f32.msk $0xffff, v17;
	v17 =	vand.u32 $0xFFFF0000, v61;
	v21 =	vand.u32 $0xFFFF0000, v23;
	v19 =	vmul.f32 v19, v18  }
0x166: {  	[tilespmem:v16+s15+$0x0] =	vst.idx.add.f32.msk $0xffff, v15;
	v16 =	vand.u32 $0xFFFF0000, v62;
	v22 =	vmul.f32 v22, v7;
	v21 =	vmul.f32 v21, v18  }
0x167: {  	s21 =	simm.s32 $0x16080;
	s19 =	simm.s32 $0x0;
	v18 =	vshll.u32 v62, $0x10;
	v15 =	vand.u32 $0xFFFF0000, v63;
	[tilespmem:v20+s15+$0x0] =	vst.idx.add.f32.msk $0xffff, v19;
	v20 =	vshll.u32 v63, $0x10  }
.LBB2_16:
0x168: {  	v23 =	vld [tilespmem:s21+$0x20];
	v19 =	vmul.f32 v17, v7;
	v18 =	vmul.f32 v18, v6  }
0x169: {  	v17 =	vmul.f32 v16, v6;
	v16 =	vmul.f32 v20, v5;
	v7 =	vld [tilespmem:s21+$0xFFFFFFF0]  }
0x16a: {  	s19 =	sadd.s32 $0x5, s19;
	v15 =	vmul.f32 v15, v5;
	v6 =	vld [tilespmem:s21+$0x0]  }
0x16b: {  	p0 =	slt.u32 s19, $0x78;
	v5 =	vld [tilespmem:s21+$0x10]  }
0x16c: {  	s18 =	sadd.s32 $0x50, s18;
	v24 =	vld [tilespmem:s21+$0xFFFFFFE0]  }
0x16d: {  	v25 =	vld [tilespmem:s18+$0x20];
	v26 =	vshrl.u32 v23, $0xE  }
0x16e: {  	v23 =	vand.u32 $0x3FFF, v23;
	v20 =	vld [tilespmem:s18+$0xFFFFFFE0];
	v27 =	vshrl.u32 v7, $0xE;
	v28 =	vand.u32 $0x3FFF, v7  }
0x16f: {  	v7 =	vld [tilespmem:s18+$0xFFFFFFF0];
	v29 =	vadd.s32 $0x2710, v27;
	v30 =	vshrl.u32 v6, $0xE;
	v31 =	vand.u32 $0x3FFF, v6  }
0x170: {  	v6 =	vld [tilespmem:s18+$0x0];
	v32 =	vadd.s32 $0x2710, v30;
	v33 =	vshrl.u32 v5, $0xE;
	v34 =	vand.u32 $0x3FFF, v5  }
0x171: {  	v35 =	vshrl.u32 v24, $0xE;
	v24 =	vand.u32 $0x3FFF, v24;
	v5 =	vld [tilespmem:s18+$0x10];
	v36 =	vadd.s32 $0x2710, v33  }
0x172: {  	v39 =	vadd.s32 $0x2710, v28;
	v37 =	vadd.s32 $0x2710, v35;
	v38 =	vadd.s32 $0x2710, v24;
	[tilespmem:v26+s10+$0x0] =	vst.idx.add.f32.msk $0xffff, v25  }
0x173: {  	v41 =	vadd.s32 $0x2710, v31;
	v42 =	vadd.s32 $0x2710, v34;
	v40 =	vadd.s32 $0x4E20, v35;
	v43 =	vld.idx.msk [tilespmem:v23+s28+$0x0], $0xffff  }
0x174: {  	v45 =	vadd.s32 $0x4E20, v27;
	v46 =	vadd.s32 $0x7530, v27;
	v44 =	vadd.s32 $0x7530, v35;
	[tilespmem:v27+s10+$0x0] =	vst.idx.add.f32.msk $0xffff, v7  }
0x175: {  	v47 =	vadd.s32 $0x4E20, v30;
	v48 =	vadd.s32 $0x7530, v30;
	v49 =	vadd.s32 $0x4E20, v33;
	[tilespmem:v30+s10+$0x0] =	vst.idx.add.f32.msk $0xffff, v6  }
0x176: {  	v50 =	vadd.s32 $0x7530, v33;
	[tilespmem:v35+s10+$0x0] =	vst.idx.add.f32.msk $0xffff, v20  }
0x177: {  	[tilespmem:v33+s10+$0x0] =	vst.idx.add.f32.msk $0xffff, v5  }
0x178: {  	v51 =	vadd.s32 $0x2710, v26;
	v24 =	vld.idx.msk [tilespmem:v24+s28+$0x0], $0xffff  }
0x179: {  	v23 =	vadd.s32 $0x2710, v23;
	v52 =	vshll.u32 v43, $0x10;
	v28 =	vld.idx.msk [tilespmem:v28+s28+$0x0], $0xffff  }
0x17a: {  	v43 =	vand.u32 $0xFFFF0000, v43;
	v52 =	vmul.f32 v52, v25;
	v31 =	vld.idx.msk [tilespmem:v31+s28+$0x0], $0xffff  }
0x17b: {  	v43 =	vmul.f32 v43, v25;
	v34 =	vld.idx.msk [tilespmem:v34+s28+$0x0], $0xffff  }
0x17c: {  	[tilespmem:v26+s15+$0x0] =	vst.idx.add.f32.msk $0xffff, v52  }
0x17d: {  	[tilespmem:v51+s15+$0x0] =	vst.idx.add.f32.msk $0xffff, v43  }
0x17e: {  	v43 =	vshll.u32 v24, $0x10;
	v24 =	vand.u32 $0xFFFF0000, v24;
	v23 =	vld.idx.msk [tilespmem:v23+s28+$0x0], $0xffff  }
0x17f: {  	v43 =	vmul.f32 v43, v20;
	v51 =	vshll.u32 v28, $0x10;
	v28 =	vand.u32 $0xFFFF0000, v28;
	[tilespmem:v14+s15+$0x0] =	vst.idx.add.f32.msk $0xffff, v21;
	v14 =	vmovc v44  }
0x180: {  	v21 =	vmul.f32 v24, v20;
	v24 =	vshll.u32 v31, $0x10;
	v31 =	vand.u32 $0xFFFF0000, v31;
	[tilespmem:v12+s15+$0x0] =	vst.idx.add.f32.msk $0xffff, v22;
	v12 =	vmovc v45  }
0x181: {  	v22 =	vmul.f32 v51, v7;
	[tilespmem:v35+s15+$0x0] =	vst.idx.add.f32.msk $0xffff, v43;
	v35 =	vshll.u32 v34, $0x10;
	v34 =	vand.u32 $0xFFFF0000, v34  }
0x182: {  	v24 =	vmul.f32 v24, v6;
	[tilespmem:v37+s15+$0x0] =	vst.idx.add.f32.msk $0xffff, v21;
	v21 =	vmul.f32 v28, v7;
	v28 =	vadd.s32 $0x4E20, v26  }
0x183: {  	v26 =	vadd.s32 $0x7530, v26;
	[tilespmem:v27+s15+$0x0] =	vst.idx.add.f32.msk $0xffff, v22;
	v22 =	vmul.f32 v31, v6;
	v27 =	vmul.f32 v35, v5  }
0x184: {  	[tilespmem:v29+s15+$0x0] =	vst.idx.add.f32.msk $0xffff, v21;
	v21 =	vmul.f32 v34, v5;
	v29 =	vshll.u32 v23, $0x10  }
0x185: {  	v23 =	vand.u32 $0xFFFF0000, v23;
	[tilespmem:v30+s15+$0x0] =	vst.idx.add.f32.msk $0xffff, v24;
	v24 =	vmul.f32 v29, v25  }
0x186: {  	[tilespmem:v32+s15+$0x0] =	vst.idx.add.f32.msk $0xffff, v22;
	v22 =	vmul.f32 v23, v25  }
0x187: {  	[tilespmem:v28+s15+$0x0] =	vst.idx.add.f32.msk $0xffff, v24  }
0x188: {  	[tilespmem:v26+s15+$0x0] =	vst.idx.add.f32.msk $0xffff, v22  }
0x189: {  	[tilespmem:v33+s15+$0x0] =	vst.idx.add.f32.msk $0xffff, v27  }
0x18a: {  	[tilespmem:v36+s15+$0x0] =	vst.idx.add.f32.msk $0xffff, v21  }
0x18b: {  	v21 =	vld.idx.msk [tilespmem:v38+s28+$0x0], $0xffff  }
0x18c: {  	v22 =	vld.idx.msk [tilespmem:v39+s28+$0x0], $0xffff  }
0x18d: {  	v23 =	vld.idx.msk [tilespmem:v41+s28+$0x0], $0xffff  }
0x18e: {  	v24 =	vld.idx.msk [tilespmem:v42+s28+$0x0], $0xffff  }
0x18f: {  	[tilespmem:v13+s15+$0x0] =	vst.idx.add.f32.msk $0xffff, v19;
	v13 =	vmov v46  }
.Ltmp8:
0x190: {  	[tilespmem:v8+s15+$0x0] =	vst.idx.add.f32.msk $0xffff, v18;
	v8 =	vmov v47;
	(pc) =	sbr.rel @p0 .LBB2_16-.Ltmp8, $4  }
0x191: {  	v18 =	vshll.u32 v21, $0x10;
	v19 =	vand.u32 $0xFFFF0000, v21;
	[tilespmem:v10+s15+$0x0] =	vst.idx.add.f32.msk $0xffff, v17;
	v10 =	vmov v48  }
0x192: {  	v25 =	vmul.f32 v18, v20;
	v26 =	vshll.u32 v22, $0x10;
	v17 =	vand.u32 $0xFFFF0000, v22;
	[tilespmem:v9+s15+$0x0] =	vst.idx.add.f32.msk $0xffff, v16;
	v9 =	vmovc v49  }
0x193: {  	v21 =	vmul.f32 v19, v20;
	v18 =	vshll.u32 v23, $0x10;
	v16 =	vand.u32 $0xFFFF0000, v23;
	[tilespmem:v11+s15+$0x0] =	vst.idx.add.f32.msk $0xffff, v15;
	v11 =	vmovc v50  }
0x194: {  	s21 =	sadd.s32 $0x50, s21;
	v22 =	vmul.f32 v26, v7;
	v20 =	vshll.u32 v24, $0x10;
	v15 =	vand.u32 $0xFFFF0000, v24;
	[tilespmem:v40+s15+$0x0] =	vst.idx.add.f32.msk $0xffff, v25  }
0x195: {  	_ =	sdelay $0x3  }
0x196: {  	v7 =	vmul.f32 v17, v7;
	[tilespmem:v14+s15+$0x0] =	vst.idx.add.f32.msk $0xffff, v21  }
0x197: {  	v14 =	vmul.f32 v18, v6;
	p0 =	seq.s32 s17, $0x4F;
	[tilespmem:v12+s15+$0x0] =	vst.idx.add.f32.msk $0xffff, v22  }
0x198: {  	v6 =	vmul.f32 v16, v6;
	s18 =	smul.u32 @!p0 $0xFA0, s17;
	[tilespmem:v13+s15+$0x0] =	vst.idx.add.f32.msk $0xffff, v7  }
0x199: {  	v7 =	vmul.f32 v20, v5;
	[tilespmem:v8+s15+$0x0] =	vst.idx.add.f32.msk $0xffff, v14  }
0x19a: {  	v5 =	vmul.f32 v15, v5;
	[tilespmem:v10+s15+$0x0] =	vst.idx.add.f32.msk $0xffff, v6;
	s18 =	sadd.s32 @!p0 $0xFA0, s18  }
0x19b: {  	s21 =	simm.s32 @!p0 $0x0;
	[tilespmem:v9+s15+$0x0] =	vst.idx.add.f32.msk $0xffff, v7;
	s19 =	sshrl.u32 @!p0 s18, $0x3;
	s18 =	sadd.s32 @!p0 s9, s18  }
0x19c: {  	s22 =	simm.s32 @!p0 $0x16010;
	[tilespmem:v11+s15+$0x0] =	vst.idx.add.f32.msk $0xffff, v5;
	s19 =	sadd.s32 @!p0 s4, s19;
	s18 =	sshrl.u32 @!p0 s18, $0x3  }
0x19d: {  	[tilespmem:s22], [sflag:$0x1] =	stream.linear.gather @!p0 [hbm4b:s19+s21], $0x7D0, $0x38;
	[tilespmem:$0x17F50] =	vst v63  }
0x19e: {  	s18 =	sadd.s32 @!p0 s7, s18;
	s19 =	simm.s32 @!p0 $0x16FB0  }
0x19f: {  	[tilespmem:s19], [sflag:$0x3] =	stream.linear.gather @!p0 [hbm4b:s18+s21], $0x7D0, $0x38;
	[tilespmem:$0x17F50] =	vst v63  }
0x1a0: {  	_ =	swait.ge [sflag:s29], $0x7D0  }
0x1a1: {  	[sflag:s29] =	ssyncset.done $0x0  }
0x1a2: {  	[sflag:s29] =	ssyncadd.s32 $0xFFFFF830  }
0x1a3: {  	_ =	swait.ge [sflag:s5], $0x7D0  }
0x1a4: {  	[sflag:s5] =	ssyncset.done $0x0  }
0x1a5: {  	s24 =	simm.s32 $0x16820;
	[sflag:s5] =	ssyncadd.s32 $0xFFFFF830  }
0x1a6: {  	v5 =	vld [tilespmem:s24+$0x0]  }
0x1a7: {  	v8 =	vld [tilespmem:s24+$0xFFFFFFD0]  }
0x1a8: {  	v9 =	vld [tilespmem:s24+$0xFFFFFFE0]  }
0x1a9: {  	v10 =	vld [tilespmem:s24+$0xFFFFFFF0]  }
0x1aa: {  	s18 =	simm.s32 $0x177C0;
	v11 =	vld [tilespmem:s24+$0xFFFFFFC0]  }
0x1ab: {  	v15 =	vld [tilespmem:s18+$0x0];
	v12 =	vshrl.u32 v5, $0xE  }
0x1ac: {  	v7 =	vld [tilespmem:s18+$0xFFFFFFD0];
	v14 =	vshrl.u32 v8, $0xE  }
0x1ad: {  	v16 =	vld [tilespmem:s18+$0xFFFFFFC0];
	v13 =	vand.u32 $0x3FFF, v5  }
0x1ae: {  	v17 =	vshrl.u32 v9, $0xE;
	v5 =	vld [tilespmem:s18+$0xFFFFFFE0]  }
0x1af: {  	v6 =	vld [tilespmem:s18+$0xFFFFFFF0];
	v18 =	vshrl.u32 v11, $0xE  }
0x1b0: {  	v11 =	vand.u32 $0x3FFF, v11;
	[tilespmem:v12+s10+$0x0] =	vst.idx.add.f32.msk $0xffff, v15  }
0x1b1: {  	v19 =	vshrl.u32 v10, $0xE;
	[tilespmem:v14+s10+$0x0] =	vst.idx.add.f32.msk $0xffff, v7  }
0x1b2: {  	v8 =	vand.u32 $0x3FFF, v8;
	v20 =	vld.idx.msk [tilespmem:v13+s28+$0x0], $0xffff  }
0x1b3: {  	v9 =	vand.u32 $0x3FFF, v9;
	[tilespmem:v17+s10+$0x0] =	vst.idx.add.f32.msk $0xffff, v5  }
0x1b4: {  	v10 =	vand.u32 $0x3FFF, v10;
	[tilespmem:v18+s10+$0x0] =	vst.idx.add.f32.msk $0xffff, v16  }
0x1b5: {  	v21 =	vld.idx.msk [tilespmem:v11+s28+$0x0], $0xffff  }
0x1b6: {  	v22 =	vadd.s32 $0x2710, v12;
	[tilespmem:v19+s10+$0x0] =	vst.idx.add.f32.msk $0xffff, v6  }
0x1b7: {  	v23 =	vld.idx.msk [tilespmem:v8+s28+$0x0], $0xffff;
	v13 =	vadd.s32 $0x2710, v13;
	v24 =	vshll.u32 v20, $0x10  }
0x1b8: {  	v25 =	vld.idx.msk [tilespmem:v9+s28+$0x0], $0xffff;
	v20 =	vand.u32 $0xFFFF0000, v20;
	v24 =	vmul.f32 v24, v15  }
0x1b9: {  	v26 =	vadd.s32 $0x2710, v18;
	v27 =	vld.idx.msk [tilespmem:v10+s28+$0x0], $0xffff;
	v20 =	vmul.f32 v20, v15  }
0x1ba: {  	v58 =	vshll.u32 v21, $0x10;
	[tilespmem:v12+s15+$0x0] =	vst.idx.add.f32.msk $0xffff, v24  }
0x1bb: {  	v11 =	vadd.s32 $0x2710, v11;
	[tilespmem:v22+s15+$0x0] =	vst.idx.add.f32.msk $0xffff, v20;
	v20 =	vand.u32 $0xFFFF0000, v21;
	v21 =	vmul.f32 v58, v16  }
0x1bc: {  	v28 =	vadd.s32 $0x2710, v14;
	v22 =	vld.idx.msk [tilespmem:v13+s28+$0x0], $0xffff;
	v13 =	vshll.u32 v23, $0x10;
	v20 =	vmul.f32 v20, v16  }
0x1bd: {  	[tilespmem:v18+s15+$0x0] =	vst.idx.add.f32.msk $0xffff, v21;
	v13 =	vmul.f32 v13, v7  }
0x1be: {  	v59 =	vadd.s32 $0x2710, v17;
	v23 =	vand.u32 $0xFFFF0000, v23;
	[tilespmem:v26+s15+$0x0] =	vst.idx.add.f32.msk $0xffff, v20  }
0x1bf: {  	v21 =	vshll.u32 v25, $0x10;
	v20 =	vmul.f32 v23, v7;
	[tilespmem:v14+s15+$0x0] =	vst.idx.add.f32.msk $0xffff, v13  }
0x1c0: {  	v25 =	vand.u32 $0xFFFF0000, v25;
	v23 =	vadd.s32 $0x2710, v19;
	v21 =	vmul.f32 v21, v5;
	v61 =	vld.idx.msk [tilespmem:v11+s28+$0x0], $0xffff  }
0x1c1: {  	v60 =	vadd.s32 $0x2710, v10;
	v25 =	vmul.f32 v25, v5;
	v13 =	vshll.u32 v27, $0x10;
	[tilespmem:v28+s15+$0x0] =	vst.idx.add.f32.msk $0xffff, v20  }
0x1c2: {  	v20 =	vadd.s32 $0x2710, v8;
	v8 =	vand.u32 $0xFFFF0000, v27;
	v13 =	vmul.f32 v13, v6;
	[tilespmem:v17+s15+$0x0] =	vst.idx.add.f32.msk $0xffff, v21  }
0x1c3: {  	v21 =	vadd.s32 $0x2710, v9;
	v8 =	vmul.f32 v8, v6;
	[tilespmem:v59+s15+$0x0] =	vst.idx.add.f32.msk $0xffff, v25  }
0x1c4: {  	[tilespmem:v19+s15+$0x0] =	vst.idx.add.f32.msk $0xffff, v13  }
0x1c5: {  	v62 =	vadd.s32 $0x7530, v12;
	[tilespmem:v23+s15+$0x0] =	vst.idx.add.f32.msk $0xffff, v8  }
0x1c6: {  	v10 =	vadd.s32 $0x7530, v18;
	v23 =	vadd.s32 $0x4E20, v18;
	v18 =	vadd.s32 $0x4E20, v12;
	v24 =	vld.idx.msk [tilespmem:v60+s28+$0x0], $0xffff  }
0x1c7: {  	v11 =	vadd.s32 $0x7530, v14;
	v9 =	vadd.s32 $0x4E20, v17;
	v13 =	vadd.s32 $0x4E20, v19;
	v20 =	vld.idx.msk [tilespmem:v20+s28+$0x0], $0xffff  }
0x1c8: {  	v8 =	vadd.s32 $0x4E20, v14;
	v12 =	vadd.s32 $0x7530, v17;
	v17 =	vshll.u32 v22, $0x10;
	v63 =	vld.idx.msk [tilespmem:v21+s28+$0x0], $0xffff  }
0x1c9: {  	v14 =	vadd.s32 $0x7530, v19;
	v19 =	vand.u32 $0xFFFF0000, v22;
	v17 =	vmul.f32 v17, v15  }
0x1ca: {  	v15 =	vmul.f32 v19, v15  }
0x1cb: {  	v19 =	vshll.u32 v61, $0x10;
	v21 =	vand.u32 $0xFFFF0000, v61;
	[tilespmem:v18+s15+$0x0] =	vst.idx.add.f32.msk $0xffff, v17  }
0x1cc: {  	v19 =	vmul.f32 v19, v16;
	v21 =	vmul.f32 v21, v16;
	[tilespmem:v62+s15+$0x0] =	vst.idx.add.f32.msk $0xffff, v15;
	v15 =	vand.u32 $0xFFFF0000, v24  }
0x1cd: {  	v22 =	vshll.u32 v20, $0x10;
	v17 =	vand.u32 $0xFFFF0000, v20;
	v18 =	vshll.u32 v63, $0x10  }
0x1ce: {  	s19 =	simm.s32 $0x0;
	s21 =	simm.s32 $0x16870;
	[tilespmem:v23+s15+$0x0] =	vst.idx.add.f32.msk $0xffff, v19;
	v16 =	vand.u32 $0xFFFF0000, v63;
	v20 =	vshll.u32 v24, $0x10;
	v22 =	vmul.f32 v22, v7  }
.LBB2_18:
0x1cf: {  	v23 =	vld [tilespmem:s21+$0x0];
	v19 =	vmul.f32 v17, v7;
	v18 =	vmul.f32 v18, v5  }
0x1d0: {  	v17 =	vmul.f32 v16, v5;
	v16 =	vmul.f32 v20, v6;
	v7 =	vld [tilespmem:s21+$0xFFFFFFD0]  }
0x1d1: {  	s19 =	sadd.s32 $0x5, s19;
	v15 =	vmul.f32 v15, v6;
	v5 =	vld [tilespmem:s21+$0xFFFFFFE0]  }
0x1d2: {  	p1 =	slt.u32 s19, $0x78;
	v6 =	vld [tilespmem:s21+$0xFFFFFFF0]  }
0x1d3: {  	s18 =	sadd.s32 $0x50, s18;
	v24 =	vld [tilespmem:s21+$0xFFFFFFC0]  }
0x1d4: {  	v25 =	vld [tilespmem:s18+$0x0];
	v26 =	vshrl.u32 v23, $0xE  }
0x1d5: {  	v23 =	vand.u32 $0x3FFF, v23;
	v20 =	vld [tilespmem:s18+$0xFFFFFFC0];
	v27 =	vshrl.u32 v7, $0xE;
	v28 =	vand.u32 $0x3FFF, v7  }
0x1d6: {  	v7 =	vld [tilespmem:s18+$0xFFFFFFD0];
	v29 =	vadd.s32 $0x2710, v27;
	v30 =	vshrl.u32 v5, $0xE;
	v31 =	vand.u32 $0x3FFF, v5  }
0x1d7: {  	v5 =	vld [tilespmem:s18+$0xFFFFFFE0];
	v32 =	vadd.s32 $0x2710, v30;
	v33 =	vshrl.u32 v6, $0xE;
	v34 =	vand.u32 $0x3FFF, v6  }
0x1d8: {  	v35 =	vshrl.u32 v24, $0xE;
	v24 =	vand.u32 $0x3FFF, v24;
	v6 =	vld [tilespmem:s18+$0xFFFFFFF0];
	v36 =	vadd.s32 $0x2710, v33  }
0x1d9: {  	v39 =	vadd.s32 $0x2710, v28;
	v37 =	vadd.s32 $0x2710, v35;
	v38 =	vadd.s32 $0x2710, v24;
	[tilespmem:v26+s10+$0x0] =	vst.idx.add.f32.msk $0xffff, v25  }
0x1da: {  	v41 =	vadd.s32 $0x2710, v31;
	v42 =	vadd.s32 $0x2710, v34;
	v40 =	vadd.s32 $0x4E20, v35;
	v43 =	vld.idx.msk [tilespmem:v23+s28+$0x0], $0xffff  }
0x1db: {  	v45 =	vadd.s32 $0x4E20, v27;
	v46 =	vadd.s32 $0x7530, v27;
	v44 =	vadd.s32 $0x7530, v35;
	[tilespmem:v27+s10+$0x0] =	vst.idx.add.f32.msk $0xffff, v7  }
0x1dc: {  	v47 =	vadd.s32 $0x4E20, v30;
	v48 =	vadd.s32 $0x7530, v30;
	v49 =	vadd.s32 $0x4E20, v33;
	[tilespmem:v30+s10+$0x0] =	vst.idx.add.f32.msk $0xffff, v5  }
0x1dd: {  	v50 =	vadd.s32 $0x7530, v33;
	[tilespmem:v35+s10+$0x0] =	vst.idx.add.f32.msk $0xffff, v20  }
0x1de: {  	[tilespmem:v33+s10+$0x0] =	vst.idx.add.f32.msk $0xffff, v6  }
0x1df: {  	v51 =	vadd.s32 $0x2710, v26;
	v24 =	vld.idx.msk [tilespmem:v24+s28+$0x0], $0xffff  }
0x1e0: {  	v23 =	vadd.s32 $0x2710, v23;
	v52 =	vshll.u32 v43, $0x10;
	v28 =	vld.idx.msk [tilespmem:v28+s28+$0x0], $0xffff  }
0x1e1: {  	v43 =	vand.u32 $0xFFFF0000, v43;
	v52 =	vmul.f32 v52, v25;
	v31 =	vld.idx.msk [tilespmem:v31+s28+$0x0], $0xffff  }
0x1e2: {  	v43 =	vmul.f32 v43, v25;
	v34 =	vld.idx.msk [tilespmem:v34+s28+$0x0], $0xffff  }
0x1e3: {  	[tilespmem:v26+s15+$0x0] =	vst.idx.add.f32.msk $0xffff, v52  }
0x1e4: {  	[tilespmem:v51+s15+$0x0] =	vst.idx.add.f32.msk $0xffff, v43  }
0x1e5: {  	v43 =	vshll.u32 v24, $0x10;
	v24 =	vand.u32 $0xFFFF0000, v24;
	v23 =	vld.idx.msk [tilespmem:v23+s28+$0x0], $0xffff  }
0x1e6: {  	v43 =	vmul.f32 v43, v20;
	v51 =	vshll.u32 v28, $0x10;
	v28 =	vand.u32 $0xFFFF0000, v28;
	[tilespmem:v10+s15+$0x0] =	vst.idx.add.f32.msk $0xffff, v21;
	v10 =	vmovc v44  }
0x1e7: {  	v21 =	vmul.f32 v24, v20;
	v24 =	vshll.u32 v31, $0x10;
	v31 =	vand.u32 $0xFFFF0000, v31;
	[tilespmem:v8+s15+$0x0] =	vst.idx.add.f32.msk $0xffff, v22;
	v8 =	vmovc v45  }
0x1e8: {  	v22 =	vmul.f32 v51, v7;
	[tilespmem:v35+s15+$0x0] =	vst.idx.add.f32.msk $0xffff, v43;
	v35 =	vshll.u32 v34, $0x10;
	v34 =	vand.u32 $0xFFFF0000, v34  }
0x1e9: {  	v24 =	vmul.f32 v24, v5;
	[tilespmem:v37+s15+$0x0] =	vst.idx.add.f32.msk $0xffff, v21;
	v21 =	vmul.f32 v28, v7;
	v28 =	vadd.s32 $0x4E20, v26  }
0x1ea: {  	v26 =	vadd.s32 $0x7530, v26;
	[tilespmem:v27+s15+$0x0] =	vst.idx.add.f32.msk $0xffff, v22;
	v22 =	vmul.f32 v31, v5;
	v27 =	vmul.f32 v35, v6  }
0x1eb: {  	[tilespmem:v29+s15+$0x0] =	vst.idx.add.f32.msk $0xffff, v21;
	v21 =	vmul.f32 v34, v6;
	v29 =	vshll.u32 v23, $0x10  }
0x1ec: {  	v23 =	vand.u32 $0xFFFF0000, v23;
	[tilespmem:v30+s15+$0x0] =	vst.idx.add.f32.msk $0xffff, v24;
	v24 =	vmul.f32 v29, v25  }
0x1ed: {  	[tilespmem:v32+s15+$0x0] =	vst.idx.add.f32.msk $0xffff, v22;
	v22 =	vmul.f32 v23, v25  }
0x1ee: {  	[tilespmem:v28+s15+$0x0] =	vst.idx.add.f32.msk $0xffff, v24  }
0x1ef: {  	[tilespmem:v26+s15+$0x0] =	vst.idx.add.f32.msk $0xffff, v22  }
0x1f0: {  	[tilespmem:v33+s15+$0x0] =	vst.idx.add.f32.msk $0xffff, v27  }
0x1f1: {  	[tilespmem:v36+s15+$0x0] =	vst.idx.add.f32.msk $0xffff, v21  }
0x1f2: {  	v21 =	vld.idx.msk [tilespmem:v38+s28+$0x0], $0xffff  }
0x1f3: {  	v22 =	vld.idx.msk [tilespmem:v39+s28+$0x0], $0xffff  }
0x1f4: {  	v23 =	vld.idx.msk [tilespmem:v41+s28+$0x0], $0xffff  }
0x1f5: {  	v24 =	vld.idx.msk [tilespmem:v42+s28+$0x0], $0xffff  }
0x1f6: {  	[tilespmem:v11+s15+$0x0] =	vst.idx.add.f32.msk $0xffff, v19;
	v11 =	vmov v46  }
.Ltmp9:
0x1f7: {  	[tilespmem:v9+s15+$0x0] =	vst.idx.add.f32.msk $0xffff, v18;
	v9 =	vmov v47;
	(pc) =	sbr.rel @p1 .LBB2_18-.Ltmp9, $4  }
0x1f8: {  	v18 =	vshll.u32 v21, $0x10;
	v19 =	vand.u32 $0xFFFF0000, v21;
	[tilespmem:v12+s15+$0x0] =	vst.idx.add.f32.msk $0xffff, v17;
	v12 =	vmov v48  }
0x1f9: {  	v25 =	vmul.f32 v18, v20;
	v26 =	vshll.u32 v22, $0x10;
	v17 =	vand.u32 $0xFFFF0000, v22;
	[tilespmem:v13+s15+$0x0] =	vst.idx.add.f32.msk $0xffff, v16;
	v13 =	vmovc v49  }
0x1fa: {  	v21 =	vmul.f32 v19, v20;
	v18 =	vshll.u32 v23, $0x10;
	v16 =	vand.u32 $0xFFFF0000, v23;
	[tilespmem:v14+s15+$0x0] =	vst.idx.add.f32.msk $0xffff, v15;
	v14 =	vmovc v50  }
0x1fb: {  	s21 =	sadd.s32 $0x50, s21;
	v22 =	vmul.f32 v26, v7;
	v20 =	vshll.u32 v24, $0x10;
	v15 =	vand.u32 $0xFFFF0000, v24;
	[tilespmem:v40+s15+$0x0] =	vst.idx.add.f32.msk $0xffff, v25  }
0x1fc: {  	_ =	sdelay $0x3  }
0x1fd: {  	v7 =	vmul.f32 v17, v7;
	[tilespmem:v10+s15+$0x0] =	vst.idx.add.f32.msk $0xffff, v21  }
0x1fe: {  	v63 =	vmul.f32 v18, v5;
	[tilespmem:v8+s15+$0x0] =	vst.idx.add.f32.msk $0xffff, v22  }
.Ltmp10:
0x1ff: {  	v5 =	vmul.f32 v16, v5;
	[tilespmem:v11+s15+$0x0] =	vst.idx.add.f32.msk $0xffff, v7;
	(pc) =	sbr.rel @p0 .LBB2_21-.Ltmp10, $4  }
0x200: {  	v7 =	vmul.f32 v20, v6;
	[tilespmem:v9+s15+$0x0] =	vst.idx.add.f32.msk $0xffff, v63  }
0x201: {  	v6 =	vmul.f32 v15, v6;
	[tilespmem:v12+s15+$0x0] =	vst.idx.add.f32.msk $0xffff, v5  }
0x202: {  	[tilespmem:v13+s15+$0x0] =	vst.idx.add.f32.msk $0xffff, v7  }
0x203: {  	[tilespmem:v14+s15+$0x0] =	vst.idx.add.f32.msk $0xffff, v6  }
0x204: {  	s18 =	smul.u32 $0xFA0, s17;
	_ =	sdelay $0x1  }
0x205: {  	s18 =	sadd.s32 $0x1770, s18  }
.Ltmp11:
0x206: {  	s19 =	sshrl.u32 s18, $0x3;
	s18 =	sadd.s32 s9, s18;
	(pc) =	sbr.rel .LBB2_15-.Ltmp11, $4  }
0x207: {  	s19 =	sadd.s32 s4, s19;
	s18 =	sshrl.u32 s18, $0x3  }
0x208: {  	[tilespmem:s0], [sflag:$0x2] =	stream.linear.gather [hbm4b:s19+s2], $0x7D0, $0x38;
	[tilespmem:$0x17F50] =	vst v63  }
0x209: {  	s17 =	sadd.s32 $0x1, s17;
	s18 =	sadd.s32 s7, s18  }
0x20a: {  	[tilespmem:s6], [sflag:$0x4] =	stream.linear.gather [hbm4b:s18+s2], $0x7D0, $0x38;
	[tilespmem:$0x17F50] =	vst v63  }
.LBB2_21:
0x20b: {  	_ =	sdelay $0x3  }
0x20c: {  	v7 =	vld.idx.msk [tilespmem:v2+s30+$0x0], $0xffff  }
0x20d: {  	v6 =	vld.idx.msk [tilespmem:v3+s30+$0x0], $0xffff  }
0x20e: {  	v5 =	vld.idx.msk [tilespmem:v0+s30+$0x0], $0xffff;
	s17 =	simm.s32 $0x0  }
0x20f: {  	v9 =	vld [tilespmem:s17+$0x138C0]  }
0x210: {  	v8 =	vld.idx.msk [tilespmem:v1+s30+$0x0], $0xffff  }
0x211: {  	v10 =	vld [tilespmem:s17+$0x13880]  }
0x212: {  	v11 =	vld [tilespmem:s17+$0x13890]  }
0x213: {  	v12 =	vld [tilespmem:s17+$0x138A0]  }
0x214: {  	v13 =	vld [tilespmem:s17+$0x138B0];
	(erf) = vrcp.f32 v9  }
0x215: {  	v14 =	vld [tilespmem:s17+$0x9C40]  }
0x216: {  	v15 =	vld [tilespmem:s17+$0xC350];
	(erf) = vrcp.f32 v10  }
0x217: {  	v16 =	vld [tilespmem:s17+$0xEA60];
	(erf) = vrcp.f32 v11  }
0x218: {  	v17 =	vld [tilespmem:s17+$0x11170];
	(erf) = vrcp.f32 v12  }
0x219: {  	v18 =	vld [tilespmem:s17+$0x9C50]  }
0x21a: {  	v20 =	vld [tilespmem:s17+$0x111B0];
	(erf) = vrcp.f32 v13  }
0x21b: {  	v19 =	vld [tilespmem:s17+$0xC360]  }
0x21c: {  	v21 =	vld [tilespmem:s17+$0xEA70]  }
0x21d: {  	v23 =	vld [tilespmem:s17+$0x11180];
	vm1 =	vgt.f32 v9, $0.0e+00;
	v9 =	vpop (erf)  }
0x21e: {  	v24 =	vld [tilespmem:s17+$0x9C60];
	v9 =	vnsel vm1, $0x0, v9  }
0x21f: {  	v26 =	vld [tilespmem:s17+$0xC370];
	vm0 =	vgt.f32 v10, $0.0e+00;
	vm2 =	vgt.f32 v11, $0.0e+00;
	v10 =	vpop (erf);
	v11 =	vmul.f32 v20, v9  }
0x220: {  	v27 =	vld [tilespmem:s17+$0xEA80];
	vm3 =	vgt.f32 v12, $0.0e+00;
	vm15 =	vgt.f32 v13, $0.0e+00;
	v10 =	vnsel vm0, $0x0, v10;
	v12 =	vpop (erf)  }
0x221: {  	v28 =	vld [tilespmem:s17+$0x11190];
	v14 =	vmul.f32 v10, v14;
	v15 =	vmul.f32 v15, v10;
	v12 =	vnsel vm2, $0x0, v12;
	v13 =	vpop (erf)  }
0x222: {  	v30 =	vld [tilespmem:s17+$0x9C70];
	v20 =	vmul.f32 v16, v10;
	v31 =	vmul.f32 v17, v10;
	v29 =	vnsel vm3, $0x0, v13  }
0x223: {  	v25 =	vadd.f32 v11, v8;
	v16 =	vmul.f32 v12, v18;
	v13 =	vld [tilespmem:s17+$0xC380];
	v22 =	vmul.f32 v19, v12;
	v11 =	vpop (erf)  }
0x224: {  	v17 =	vmul.f32 v21, v12;
	v14 =	vadd.f32 v14, v7;
	v10 =	vnsel vm15, $0x0, v11;
	v11 =	vld [tilespmem:s17+$0xEA90]  }
0x225: {  	v21 =	vmul.f32 v23, v12;
	v12 =	vld [tilespmem:s17+$0x111A0];
	v15 =	vadd.f32 v15, v6;
	v18 =	vmul.f32 v29, v24;
	[tilespmem:s17+$0x111B0] =	vst v25  }
0x226: {  	v23 =	vmul.f32 v26, v29;
	v24 =	vmul.f32 v28, v29;
	v25 =	vadd.f32 v20, v5;
	[tilespmem:s17+$0x9C40] =	vst v14;
	v14 =	vld [tilespmem:s17+$0x9C80]  }
0x227: {  	s18 =	simm.s32 $0x0;
	s19 =	simm.s32 $0x140;
	v26 =	vadd.f32 v31, v8;
	v20 =	vmul.f32 v27, v29;
	[tilespmem:s17+$0xC350] =	vst v15;
	v15 =	vld [tilespmem:s17+$0xC390];
	v19 =	vmul.f32 v10, v30  }
.LBB2_22:
0x228: {  	s21 =	sshra.s32 s19, $0x2;
	s18 =	sadd.s32 $0x5, s18;
	[tilespmem:s17+$0xEA60] =	vst v25;
	v16 =	vadd.f32 v16, v7;
	v22 =	vadd.f32 v22, v6;
	v13 =	vmul.f32 v13, v10;
	v25 =	vld [tilespmem:s17+$0xEAA0]  }
0x229: {  	v17 =	vadd.f32 v17, v5;
	v21 =	vadd.f32 v21, v8;
	v27 =	vld [tilespmem:s21+$0x138C0];
	p0 =	slt.u32 s18, $0x26C;
	[tilespmem:s17+$0x11170] =	vst v26;
	v11 =	vmul.f32 v11, v10  }
0x22a: {  	v26 =	vld [tilespmem:s21+$0x13880];
	[tilespmem:s17+$0x9C50] =	vst v16;
	v16 =	vadd.f32 v18, v7;
	v18 =	vadd.f32 v23, v6;
	v10 =	vmul.f32 v12, v10  }
0x22b: {  	v20 =	vadd.f32 v20, v5;
	v12 =	vld [tilespmem:s21+$0x13890];
	[tilespmem:s17+$0xC360] =	vst v22;
	v22 =	vadd.f32 v24, v8;
	v14 =	vmul.f32 v9, v14  }
0x22c: {  	v13 =	vadd.f32 v13, v6;
	v23 =	vld [tilespmem:s21+$0x138A0];
	[tilespmem:s17+$0xEA70] =	vst v17;
	v17 =	vadd.f32 v19, v7;
	v15 =	vmul.f32 v15, v9  }
0x22d: {  	v11 =	vadd.f32 v11, v5;
	v10 =	vadd.f32 v10, v8;
	v19 =	vld [tilespmem:s21+$0x138B0];
	[tilespmem:s17+$0x11180] =	vst v21;
	v9 =	vmul.f32 v25, v9  }
0x22e: {  	v14 =	vadd.f32 v14, v7;
	v21 =	vld [tilespmem:s21+$0x9C40];
	(erf) = vrcp.f32 v27;
	[tilespmem:s17+$0x9C60] =	vst v16;
	v15 =	vadd.f32 v15, v6  }
0x22f: {  	vm1 =	vgt.f32 v26, $0.0e+00;
	v16 =	vld [tilespmem:s21+$0xC350];
	(erf) = vrcp.f32 v26;
	[tilespmem:s17+$0xC370] =	vst v18;
	v18 =	vadd.f32 v9, v5  }
0x230: {  	v24 =	vld [tilespmem:s21+$0xEA60];
	vm2 =	vgt.f32 v12, $0.0e+00;
	(erf) = vrcp.f32 v12;
	[tilespmem:s17+$0xEA80] =	vst v20  }
0x231: {  	v12 =	vld [tilespmem:s21+$0x11170];
	vm3 =	vgt.f32 v23, $0.0e+00;
	(erf) = vrcp.f32 v23;
	[tilespmem:s17+$0x11190] =	vst v22  }
0x232: {  	v20 =	vld [tilespmem:s21+$0x9C50];
	vm0 =	vgt.f32 v19, $0.0e+00;
	(erf) = vrcp.f32 v19;
	[tilespmem:s17+$0x9C70] =	vst v17  }
0x233: {  	v17 =	vld [tilespmem:s21+$0xC360];
	[tilespmem:s17+$0xC380] =	vst v13  }
0x234: {  	v13 =	vld [tilespmem:s21+$0x111B0];
	[tilespmem:s17+$0xEA90] =	vst v11  }
0x235: {  	v11 =	vld [tilespmem:s21+$0xEA70];
	[tilespmem:s17+$0x111A0] =	vst v10  }
0x236: {  	v19 =	vld [tilespmem:s21+$0x11180];
	[tilespmem:s17+$0x9C80] =	vst v14  }
0x237: {  	vm4 =	vgt.f32 v27, $0.0e+00;
	v14 =	vld [tilespmem:s21+$0x9C60];
	v9 =	vpop (erf);
	[tilespmem:s17+$0xC390] =	vst v15  }
0x238: {  	v15 =	vld [tilespmem:s21+$0xC370];
	v9 =	vnsel vm4, $0x0, v9;
	v10 =	vpop (erf);
	[tilespmem:s17+$0xEAA0] =	vst v18;
	s17 =	smov.u32 s21  }
0x239: {  	v10 =	vnsel vm1, $0x0, v10;
	v26 =	vld [tilespmem:s17+$0xEA80];
	v22 =	vmul.f32 v13, v9;
	v18 =	vpop (erf)  }
0x23a: {  	v21 =	vmul.f32 v10, v21;
	v23 =	vmul.f32 v16, v10;
	v18 =	vnsel vm2, $0x0, v18;
	v27 =	vld [tilespmem:s17+$0x11190];
	v16 =	vpop (erf)  }
0x23b: {  	v24 =	vmul.f32 v24, v10;
	v28 =	vnsel vm3, $0x0, v16;
	v29 =	vld [tilespmem:s17+$0x9C70];
	v25 =	vadd.f32 v22, v8;
	v13 =	vpop (erf)  }
.Ltmp12:
0x23c: {  	v30 =	vmul.f32 v12, v10;
	v16 =	vmul.f32 v18, v20;
	v10 =	vnsel vm0, $0x0, v13;
	v13 =	vld [tilespmem:s17+$0xC380];
	(pc) =	sbr.rel @p0 .LBB2_22-.Ltmp12, $4  }
0x23d: {  	v22 =	vmul.f32 v17, v18;
	v17 =	vmul.f32 v11, v18;
	v20 =	vadd.f32 v21, v7;
	v11 =	vld [tilespmem:s17+$0xEA90];
	[tilespmem:s17+$0x111B0] =	vst v25  }
0x23e: {  	v31 =	vadd.f32 v23, v6;
	v21 =	vmul.f32 v19, v18;
	v18 =	vmul.f32 v28, v14;
	v12 =	vld [tilespmem:s17+$0x111A0]  }
0x23f: {  	v25 =	vadd.f32 v24, v5;
	v23 =	vmul.f32 v15, v28;
	[tilespmem:s17+$0x9C40] =	vst v20;
	v20 =	vmul.f32 v26, v28;
	v14 =	vld [tilespmem:s17+$0x9C80]  }
0x240: {  	s19 =	sadd.s32 $0x140, s19;
	v26 =	vadd.f32 v30, v8;
	v24 =	vmul.f32 v27, v28;
	[tilespmem:s17+$0xC350] =	vst v31;
	v19 =	vmul.f32 v10, v29;
	v15 =	vld [tilespmem:s17+$0xC390]  }
0x241: {  	[tilespmem:s17+$0xEA60] =	vst v25;
	v16 =	vadd.f32 v16, v7  }
0x242: {  	v22 =	vadd.f32 v22, v6;
	[tilespmem:s17+$0x11170] =	vst v26  }
0x243: {  	v17 =	vadd.f32 v17, v5;
	[tilespmem:s17+$0x9C50] =	vst v16  }
0x244: {  	v52 =	vadd.f32 v21, v8;
	[tilespmem:s17+$0xC360] =	vst v22  }
0x245: {  	v18 =	vadd.f32 v18, v7;
	[tilespmem:s17+$0xEA70] =	vst v17  }
0x246: {  	v53 =	vadd.f32 v23, v6;
	[tilespmem:s17+$0x11180] =	vst v52  }
0x247: {  	v54 =	vadd.f32 v20, v5;
	[tilespmem:s17+$0x9C60] =	vst v18  }
0x248: {  	v13 =	vmul.f32 v13, v10;
	v55 =	vld [tilespmem:s17+$0xEAA0];
	v56 =	vadd.f32 v24, v8;
	[tilespmem:s17+$0xC370] =	vst v53  }
0x249: {  	v11 =	vmul.f32 v11, v10;
	v57 =	vadd.f32 v19, v7;
	[tilespmem:s17+$0xEA80] =	vst v54  }
0x24a: {  	v58 =	vmul.f32 v12, v10;
	v59 =	vadd.f32 v13, v6;
	[tilespmem:s17+$0x11190] =	vst v56  }
0x24b: {  	v60 =	vmul.f32 v9, v14;
	v11 =	vadd.f32 v11, v5;
	[tilespmem:s17+$0x9C70] =	vst v57  }
0x24c: {  	v61 =	vmul.f32 v15, v9;
	v62 =	vadd.f32 v58, v8;
	[tilespmem:s17+$0xC380] =	vst v59  }
0x24d: {  	v63 =	vmul.f32 v55, v9;
	v7 =	vadd.f32 v60, v7;
	[tilespmem:s17+$0xEA90] =	vst v11  }
0x24e: {  	v6 =	vadd.f32 v61, v6;
	[tilespmem:s17+$0x111A0] =	vst v62  }
0x24f: {  	v5 =	vadd.f32 v63, v5;
	[tilespmem:s17+$0x9C80] =	vst v7  }
0x250: {  	[tilespmem:s17+$0xC390] =	vst v6  }
0x251: {  	[tilespmem:s17+$0xEAA0] =	vst v5  }
0x252: {  	s17 =	rddreg [dreg:$0x9]  }
0x253: {  	[hbm4b:s17+s2] =	stream.linear.scatter [tilespmem:s15], [sflag:$0x5], $0x2710, $0x38;
	[tilespmem:$0x17F50] =	vst v63  }
0x254: {  	_ =	swait.ge [sflag:s25], $0x2710  }
0x255: {  	[sflag:s25] =	ssyncset.done $0x0  }
0x256: {  	s18 =	simm.s32 $0xC350;
	s24 =	rddreg [dreg:$0xa];
	[sflag:s25] =	ssyncadd.s32 $0xFFFFD8F0  }
0x257: {  	[hbm4b:s24+s2] =	stream.linear.scatter [tilespmem:s18], [sflag:$0x5], $0x2710, $0x38;
	[tilespmem:$0x17F50] =	vst v63  }
0x258: {  	_ =	swait.ge [sflag:s25], $0x2710  }
0x259: {  	[sflag:s25] =	ssyncset.done $0x0  }
0x25a: {  	s19 =	simm.s32 $0xEA60;
	s18 =	rddreg [dreg:$0xb];
	[sflag:s25] =	ssyncadd.s32 $0xFFFFD8F0  }
0x25b: {  	[hbm4b:s18+s2] =	stream.linear.scatter [tilespmem:s19], [sflag:$0x5], $0x2710, $0x38;
	[tilespmem:$0x17F50] =	vst v63  }
0x25c: {  	_ =	swait.ge [sflag:s25], $0x2710  }
0x25d: {  	[sflag:s25] =	ssyncset.done $0x0  }
0x25e: {  	s22 =	simm.s32 $0x11170;
	s21 =	rddreg [dreg:$0xc];
	[sflag:s25] =	ssyncadd.s32 $0xFFFFD8F0  }
0x25f: {  	[hbm4b:s21+s2] =	stream.linear.scatter [tilespmem:s22], [sflag:$0x5], $0x2710, $0x38;
	[tilespmem:$0x17F50] =	vst v63  }
0x260: {  	_ =	swait.ge [sflag:s25], $0x2710  }
0x261: {  	s16 =	sadd.s32 $0x1, s16;
	s24 =	rddreg [dreg:$0xd]  }
0x262: {  	p0 =	sne.s32 s16, s24  }
.Ltmp13:
0x263: {  	_ = 	snop;
	(pc) =	sbr.rel @p0 .LBB2_1-.Ltmp13, $3  }
0x264: {  	_ =	sdelay $0x1  }
0x265: {  	[sflag:s25] =	ssyncset.done $0x0  }
0x266: {  	[sflag:s25] =	ssyncadd.s32 $0xFFFFD8F0  }
0x267: {  	_ =	sfence.sel $0x180000  }
0x268: {  	[bflag:$0x0] =	sbarrier.arrive $0xFFFF  }
0x269: {  	_ =	strace $0x90000047  }
0x26a: {  	s0 =	stileid.u32;
	[bflag:$0x2] =	sbarrier.arrive $0xFFFF  }
0x26b: {  	p0 =	sne.s32 s0, $0x0;
	s0 =	rddreg [dreg:$0x3]  }
0x26c: {  	s0 =	sadd.s32 @!p0 $0x100000, s0  }
0x26d: {  	[sflag:s0] =	ssyncadd.tile.s32 @!p0 $0x1;
	_ =	shalt  }
.Lfunc_end2:
_tile_overlayer_lowered:
.L_overlay_start_2:
0x26e: {  	(tag) =	ssettag $0x2  }
0x26f: {  	s0 =	rddreg [dreg:$0x0];
	s2 =	stileid.u32  }
0x270: {  	s1 =	rddreg [dreg:$0x1];
	p0 =	sne.s32 s2, $0x0  }
0x271: {  	s3 =	rddreg [dreg:$0x2];
	[bflag:$0x3] =	sbarrier.arrive $0xFFFF;
	s2 =	simm.s32 @!p0 $0x1C05  }
0x272: {  	[timem:s3], [sflag:s2] =	dma.local @!p0 [hbm:s0], s1  }
0x273: {  	s0 =	simm.s32 @!p0 $0x5  }
0x274: {  	_ =	swait.ge @!p0 [sflag:s0], s1  }
0x275: {  	s1 =	ssub.s32 @!p0 $0x0, s1;
	[sflag:s0] =	ssyncset.done @!p0 $0x0  }
0x276: {  	[sflag:s0] =	ssyncadd.s32 @!p0 s1  }
0x277: {  	[bflag:$0x3] =	sbarrier.arrive $0xFFFF  }
0x278: {  	_ =	shalt  }

</sc_bundles>
